<compile_context>
chip_gen: v7x
topology: tpu7x:2x2x1
jax: 0.10.2.dev20260603
libtpu: 0.0.44.dev20260713+nightly
codegen_flags: <defaults>
</compile_context>

<pallas_src>
import functools

import jax
import jax.numpy as jnp
from jax import lax
from jax.experimental import pallas as pl
from jax.experimental.pallas import tpu as pltpu
from jax.experimental.pallas import tpu_sc as plsc

EMBED = 64
CHUNK = 256
ROW_W = 128
NBUF = 2


@functools.lru_cache(maxsize=None)
def _make_gather(n_total: int):
    info = plsc.get_sparse_core_info()
    nw = info.num_cores * info.num_subcores
    per_w = n_total // nw
    assert per_w * nw == n_total and per_w % (CHUNK * NBUF) == 0
    n_rounds = per_w // (CHUNK * NBUF)
    assert n_rounds >= 2
    mesh = plsc.VectorSubcoreMesh(core_axis_name="c", subcore_axis_name="s")

    @functools.partial(
        pl.kernel,
        mesh=mesh,
        out_type=jax.ShapeDtypeStruct((n_total, EMBED), jnp.float32),
        scratch_types=[
            pltpu.VMEM((per_w,), jnp.int32),
            pltpu.VMEM((NBUF, CHUNK, ROW_W), jnp.float32),
            pltpu.SemaphoreType.DMA((NBUF,)),
            pltpu.SemaphoreType.DMA((NBUF,)),
        ],
        compiler_params=pltpu.CompilerParams(use_tc_tiling_on_sc=False),
    )
    def gather_kernel(idx_hbm, table_hbm, out_hbm, idx_all, rows, gsem, ssem):
        wid = lax.axis_index("s") * info.num_cores + lax.axis_index("c")
        base = wid * per_w

        def idx_slice(c):
            return idx_all.at[pl.ds(c * CHUNK, CHUNK)]

        def out_slice(c):
            return out_hbm.at[pl.ds(base + c * CHUNK, CHUNK)]

        def rows_64(b):
            return rows.at[b].at[:, pl.ds(0, EMBED)]

        pltpu.sync_copy(idx_hbm.at[pl.ds(base, per_w)], idx_all)
        for b in range(NBUF):
            pltpu.async_copy(table_hbm.at[idx_slice(b)], rows.at[b], gsem.at[b])

        def body(g, carry):
            c0 = g * NBUF
            for b in range(NBUF):
                pltpu.make_async_copy(
                    table_hbm.at[idx_slice(c0 + b)], rows.at[b], gsem.at[b]
                ).wait()
                pltpu.async_copy(rows_64(b), out_slice(c0 + b), ssem.at[b])
            for b in range(NBUF):
                pltpu.make_async_copy(
                    rows_64(b), out_slice(c0 + b), ssem.at[b]
                ).wait()
                pltpu.async_copy(
                    table_hbm.at[idx_slice(c0 + NBUF + b)], rows.at[b], gsem.at[b]
                )
            return carry

        lax.fori_loop(0, n_rounds - 1, body, 0)

        cf = (n_rounds - 1) * NBUF
        for b in range(NBUF):
            pltpu.make_async_copy(
                table_hbm.at[idx_slice(cf + b)], rows.at[b], gsem.at[b]
            ).wait()
            pltpu.async_copy(rows_64(b), out_slice(cf + b), ssem.at[b])
        for b in range(NBUF):
            pltpu.make_async_copy(rows_64(b), out_slice(cf + b), ssem.at[b]).wait()

    return gather_kernel


def kernel(x, table):
    b, l = x.shape
    flat = x.T.reshape(b * l).astype(jnp.int32)
    ptab = jnp.pad(table, ((0, 0), (0, 128 - EMBED)))
    out = _make_gather(b * l)(flat, ptab)
    return out.reshape(l, b, EMBED).transpose(1, 0, 2)

# --- scband reference (transcript-rebuilt; emitter-appended) ---
"""Pipeline reference for scband-embeddings-7009386627240 (READ-ONLY COPY).

The authoritative reference and input builder live on the scoring server;
editing this copy changes nothing except your own understanding.
"""

import jax, jax.numpy as jnp
import numpy as np

VOCAB = 1000000
EMBED = 64
B = 4096
L = 200

def setup_inputs(seed: int = 0) -> dict:
    key = jax.random.key(seed)
    k1, k2 = jax.random.split(key)
    x = jax.random.randint(k1, (B, L), 0, VOCAB, dtype=jnp.int64 if jax.config.jax_enable_x64 else jnp.int32)
    # nn.Embedding default init: N(0, 1)
    table = jax.random.normal(k2, (VOCAB, EMBED), dtype=jnp.float32)
    return {"x": x, "table": table}

def reference(x, table):
    # Embeddings.forward: dropout(embedding(x)); dropout is identity at inference
    out = jnp.take(table, x, axis=0)
    return out

if __name__ == "__main__":
    import jax
    _d = setup_inputs()
    print(jax.jit(kernel)(*tuple(_d.values())))

</pallas_src>

<mosaic_0001>
#map = affine_map<(d0, d1) -> (0)>
#map1 = affine_map<(d0, d1) -> (0, 0)>
module attributes {stable_mosaic.version = 14 : i64} {
  func.func @gather_kernel(%arg0: i32, %arg1: i32, %arg2: memref<819200xi32, #tpu.memory_space<hbm>>, %arg3: memref<1000000x128xf32, #tpu.memory_space<hbm>>, %arg4: memref<819200x64xf32, #tpu.memory_space<hbm>>, %arg5: memref<25600xi32, #tpu.memory_space<vmem>>, %arg6: memref<2x256x128xf32, #tpu.memory_space<vmem>>, %arg7: memref<2x!tpu.dma_semaphore, #tpu.memory_space<semaphore_mem>>, %arg8: memref<2x!tpu.dma_semaphore, #tpu.memory_space<semaphore_mem>>) attributes {dimension_semantics = [#tpu.dimension_semantics<core_parallel>, #tpu.dimension_semantics<subcore_parallel>], iteration_bounds = array<i64: 2, 16>, scalar_prefetch = 0 : i64, scratch_operands = 4 : i64, tpu.core_type = #tpu.core_type<sc_vector_subcore>, window_params = [{transform_indices = #map}, {transform_indices = #map1}, {transform_indices = #map1}]} {
    %mul3A = arith.constant 2 : i32
    %mul3A_0 = arith.muli %arg1, %mul3A : i32
    %add3A = arith.addi %mul3A_0, %arg0 : i32
    %mul3A_1 = arith.constant 25600 : i32
    %mul3A_2 = arith.muli %add3A, %mul3A_1 : i32
    "tpu.region"() ({
      %run_scoped3A = tpu.sem_alloc : memref<!tpu.dma_semaphore, #tpu.memory_space<semaphore_mem>>
      %dma_start3A_154 = tpu.memref_slice %arg2[%mul3A_2] : memref<819200xi32, #tpu.memory_space<hbm>> -> memref<25600xi32, #tpu.memory_space<hbm>>
      %dma_start3A_155 = tpu.memref_slice %arg2[%mul3A_2] : memref<819200xi32, #tpu.memory_space<hbm>> -> memref<25600xi32, #tpu.memory_space<hbm>>
      tpu.enqueue_dma source(%dma_start3A_155 : memref<25600xi32, #tpu.memory_space<hbm>>) target(%arg5 : memref<25600xi32, #tpu.memory_space<vmem>>) target_semaphore(%run_scoped3A : memref<!tpu.dma_semaphore, #tpu.memory_space<semaphore_mem>>)
      %dma_wait3A_156 = tpu.memref_slice %arg2[%mul3A_2] : memref<819200xi32, #tpu.memory_space<hbm>> -> memref<25600xi32, #tpu.memory_space<hbm>>
      %dma_wait3A_157 = tpu.memref_slice %arg2[%mul3A_2] : memref<819200xi32, #tpu.memory_space<hbm>> -> memref<25600xi32, #tpu.memory_space<hbm>>
      tpu.wait_dma2 semaphore(%run_scoped3A : memref<!tpu.dma_semaphore, #tpu.memory_space<semaphore_mem>>) src(%dma_wait3A_157 : memref<25600xi32, #tpu.memory_space<hbm>>) dst(%arg5 : memref<25600xi32, #tpu.memory_space<vmem>>)
      tpu.yield
    }) : () -> ()
    %dma_start3A = arith.constant 0 : i32
    %dma_start3A_3 = arith.constant 0 : i32
    %dma_start3A_4 = arith.constant 0 : i32
    %dma_start3A_5 = arith.constant 0 : i32
    %dma_start3A_6 = tpu.memref_slice %arg6[%dma_start3A, %dma_start3A_4, %dma_start3A_5] : memref<2x256x128xf32, #tpu.memory_space<vmem>> -> memref<1x256x128xf32, #tpu.memory_space<vmem>>
    %dma_start3A_7 = tpu.memref_squeeze %dma_start3A_6 : memref<1x256x128xf32, #tpu.memory_space<vmem>> -> memref<256x128xf32, #tpu.memory_space<vmem>>
    %dma_start3A_8 = arith.constant 0 : i32
    %dma_start3A_9 = tpu.memref_slice %arg5[%dma_start3A_8] : memref<25600xi32, #tpu.memory_space<vmem>> -> memref<256xi32, #tpu.memory_space<vmem>>
    %dma_start3A_10 = arith.constant 0 : i32
    %dma_start3A_11 = arith.constant 0 : i32
    %dma_start3A_12 = tpu.memref_slice %arg3[%dma_start3A_10, %dma_start3A_11] : memref<1000000x128xf32, #tpu.memory_space<hbm>> -> memref<1000000x128xf32, #tpu.memory_space<hbm>>
    %dma_start3A_13 = tpu.memref_slice %arg7[%dma_start3A_3] : memref<2x!tpu.dma_semaphore, #tpu.memory_space<semaphore_mem>> -> memref<1x!tpu.dma_semaphore, #tpu.memory_space<semaphore_mem>>
    %dma_start3A_14 = tpu.memref_squeeze %dma_start3A_13 : memref<1x!tpu.dma_semaphore, #tpu.memory_space<semaphore_mem>> -> memref<!tpu.dma_semaphore, #tpu.memory_space<semaphore_mem>>
    tpu.enqueue_indirect_dma source(%dma_start3A_12 : memref<1000000x128xf32, #tpu.memory_space<hbm>>) target(%dma_start3A_7 : memref<256x128xf32, #tpu.memory_space<vmem>>) offsets(%dma_start3A_9 : memref<256xi32, #tpu.memory_space<vmem>>) semaphore(%dma_start3A_14 : memref<!tpu.dma_semaphore, #tpu.memory_space<semaphore_mem>>)
    %dma_start3A_15 = arith.constant 1 : i32
    %dma_start3A_16 = arith.constant 1 : i32
    %dma_start3A_17 = arith.constant 0 : i32
    %dma_start3A_18 = arith.constant 0 : i32
    %dma_start3A_19 = tpu.memref_slice %arg6[%dma_start3A_15, %dma_start3A_17, %dma_start3A_18] : memref<2x256x128xf32, #tpu.memory_space<vmem>> -> memref<1x256x128xf32, #tpu.memory_space<vmem>>
    %dma_start3A_20 = tpu.memref_squeeze %dma_start3A_19 : memref<1x256x128xf32, #tpu.memory_space<vmem>> -> memref<256x128xf32, #tpu.memory_space<vmem>>
    %dma_start3A_21 = arith.constant 256 : i32
    %dma_start3A_22 = tpu.memref_slice %arg5[%dma_start3A_21] : memref<25600xi32, #tpu.memory_space<vmem>> -> memref<256xi32, #tpu.memory_space<vmem>>
    %dma_start3A_23 = arith.constant 0 : i32
    %dma_start3A_24 = arith.constant 0 : i32
    %dma_start3A_25 = tpu.memref_slice %arg3[%dma_start3A_23, %dma_start3A_24] : memref<1000000x128xf32, #tpu.memory_space<hbm>> -> memref<1000000x128xf32, #tpu.memory_space<hbm>>
    %dma_start3A_26 = tpu.memref_slice %arg7[%dma_start3A_16] : memref<2x!tpu.dma_semaphore, #tpu.memory_space<semaphore_mem>> -> memref<1x!tpu.dma_semaphore, #tpu.memory_space<semaphore_mem>>
    %dma_start3A_27 = tpu.memref_squeeze %dma_start3A_26 : memref<1x!tpu.dma_semaphore, #tpu.memory_space<semaphore_mem>> -> memref<!tpu.dma_semaphore, #tpu.memory_space<semaphore_mem>>
    tpu.enqueue_indirect_dma source(%dma_start3A_25 : memref<1000000x128xf32, #tpu.memory_space<hbm>>) target(%dma_start3A_20 : memref<256x128xf32, #tpu.memory_space<vmem>>) offsets(%dma_start3A_22 : memref<256xi32, #tpu.memory_space<vmem>>) semaphore(%dma_start3A_27 : memref<!tpu.dma_semaphore, #tpu.memory_space<semaphore_mem>>)
    %scan3A = arith.constant 0 : i32
    %scan3A_28 = arith.constant 0 : i32
    %scan3A_29 = arith.constant 49 : i32
    %scan3A_30 = arith.addi %scan3A_28, %scan3A_29 : i32
    %scan3A_31 = arith.constant 1 : i32
    scf.for %scan3A_154 = %scan3A_28 to %scan3A_30 step %scan3A_31  : i32 {
      %mul3A_155 = arith.constant 2 : i32
      %mul3A_156 = arith.muli %scan3A_154, %mul3A_155 : i32
      %add3A_157 = arith.constant 0 : i32
      %add3A_158 = arith.addi %mul3A_156, %add3A_157 : i32
      %mul3A_159 = arith.constant 256 : i32
      %mul3A_160 = arith.muli %add3A_158, %mul3A_159 : i32
      %dma_wait3A_161 = arith.constant 0 : i32
      %dma_wait3A_162 = arith.constant 0 : i32
      %dma_wait3A_163 = arith.constant 0 : i32
      %dma_wait3A_164 = arith.constant 0 : i32
      %dma_wait3A_165 = tpu.memref_slice %arg6[%dma_wait3A_161, %dma_wait3A_163, %dma_wait3A_164] : memref<2x256x128xf32, #tpu.memory_space<vmem>> -> memref<1x256x128xf32, #tpu.memory_space<vmem>>
      %dma_wait3A_166 = tpu.memref_squeeze %dma_wait3A_165 : memref<1x256x128xf32, #tpu.memory_space<vmem>> -> memref<256x128xf32, #tpu.memory_space<vmem>>
      %dma_wait3A_167 = tpu.memref_slice %arg5[%mul3A_160] : memref<25600xi32, #tpu.memory_space<vmem>> -> memref<256xi32, #tpu.memory_space<vmem>>
      %dma_wait3A_168 = arith.constant 0 : i32
      %dma_wait3A_169 = arith.constant 0 : i32
      %dma_wait3A_170 = tpu.memref_slice %arg3[%dma_wait3A_168, %dma_wait3A_169] : memref<1000000x128xf32, #tpu.memory_space<hbm>> -> memref<1000000x128xf32, #tpu.memory_space<hbm>>
      %dma_wait3A_171 = tpu.memref_slice %arg7[%dma_wait3A_162] : memref<2x!tpu.dma_semaphore, #tpu.memory_space<semaphore_mem>> -> memref<1x!tpu.dma_semaphore, #tpu.memory_space<semaphore_mem>>
      %dma_wait3A_172 = tpu.memref_squeeze %dma_wait3A_171 : memref<1x!tpu.dma_semaphore, #tpu.memory_space<semaphore_mem>> -> memref<!tpu.dma_semaphore, #tpu.memory_space<semaphore_mem>>
      tpu.wait_indirect_dma semaphore(%dma_wait3A_172 : memref<!tpu.dma_semaphore, #tpu.memory_space<semaphore_mem>>) src(%dma_wait3A_170 : memref<1000000x128xf32, #tpu.memory_space<hbm>>) dst(%dma_wait3A_166 : memref<256x128xf32, #tpu.memory_space<vmem>>)
      %add3A_173 = arith.constant 0 : i32
      %add3A_174 = arith.addi %mul3A_156, %add3A_173 : i32
      %mul3A_175 = arith.constant 256 : i32
      %mul3A_176 = arith.muli %add3A_174, %mul3A_175 : i32
      %add3A_177 = arith.addi %mul3A_2, %mul3A_176 : i32
      %dma_start3A_178 = arith.constant 0 : i32
      %dma_start3A_179 = arith.constant 0 : i32
      %dma_start3A_180 = arith.constant 0 : i32
      %dma_start3A_181 = arith.constant 0 : i32
      %dma_start3A_182 = tpu.memref_slice %arg6[%dma_start3A_178, %dma_start3A_180, %dma_start3A_181] : memref<2x256x128xf32, #tpu.memory_space<vmem>> -> memref<1x256x128xf32, #tpu.memory_space<vmem>>
      %dma_start3A_183 = tpu.memref_squeeze %dma_start3A_182 : memref<1x256x128xf32, #tpu.memory_space<vmem>> -> memref<256x128xf32, #tpu.memory_space<vmem>>
      %dma_start3A_184 = arith.constant 0 : i32
      %dma_start3A_185 = arith.constant 0 : i32
      %dma_start3A_186 = tpu.memref_slice %dma_start3A_183[%dma_start3A_184, %dma_start3A_185] : memref<256x128xf32, #tpu.memory_space<vmem>> -> memref<256x64xf32, #tpu.memory_space<vmem>>
      %dma_start3A_187 = arith.constant 0 : i32
      %dma_start3A_188 = tpu.memref_slice %arg4[%add3A_177, %dma_start3A_187] : memref<819200x64xf32, #tpu.memory_space<hbm>> -> memref<256x64xf32, #tpu.memory_space<hbm>>
      %dma_start3A_189 = tpu.memref_slice %arg8[%dma_start3A_179] : memref<2x!tpu.dma_semaphore, #tpu.memory_space<semaphore_mem>> -> memref<1x!tpu.dma_semaphore, #tpu.memory_space<semaphore_mem>>
      %dma_start3A_190 = tpu.memref_squeeze %dma_start3A_189 : memref<1x!tpu.dma_semaphore, #tpu.memory_space<semaphore_mem>> -> memref<!tpu.dma_semaphore, #tpu.memory_space<semaphore_mem>>
      %dma_start3A_191 = arith.constant 0 : i32
      %dma_start3A_192 = tpu.memref_slice %arg4[%add3A_177, %dma_start3A_191] : memref<819200x64xf32, #tpu.memory_space<hbm>> -> memref<256x64xf32, #tpu.memory_space<hbm>>
      %dma_start3A_193 = arith.constant 0 : i32
      %dma_start3A_194 = arith.constant 0 : i32
      %dma_start3A_195 = tpu.memref_slice %arg6[%dma_start3A_178, %dma_start3A_193, %dma_start3A_194] : memref<2x256x128xf32, #tpu.memory_space<vmem>> -> memref<1x256x128xf32, #tpu.memory_space<vmem>>
      %dma_start3A_196 = tpu.memref_squeeze %dma_start3A_195 : memref<1x256x128xf32, #tpu.memory_space<vmem>> -> memref<256x128xf32, #tpu.memory_space<vmem>>
      %dma_start3A_197 = arith.constant 0 : i32
      %dma_start3A_198 = arith.constant 0 : i32
      %dma_start3A_199 = tpu.memref_slice %dma_start3A_196[%dma_start3A_197, %dma_start3A_198] : memref<256x128xf32, #tpu.memory_space<vmem>> -> memref<256x64xf32, #tpu.memory_space<vmem>>
      tpu.enqueue_dma source(%dma_start3A_199 : memref<256x64xf32, #tpu.memory_space<vmem>>) target(%dma_start3A_192 : memref<256x64xf32, #tpu.memory_space<hbm>>) target_semaphore(%dma_start3A_190 : memref<!tpu.dma_semaphore, #tpu.memory_space<semaphore_mem>>)
      %add3A_200 = arith.constant 1 : i32
      %add3A_201 = arith.addi %mul3A_156, %add3A_200 : i32
      %mul3A_202 = arith.constant 256 : i32
      %mul3A_203 = arith.muli %add3A_201, %mul3A_202 : i32
      %dma_wait3A_204 = arith.constant 1 : i32
      %dma_wait3A_205 = arith.constant 1 : i32
      %dma_wait3A_206 = arith.constant 0 : i32
      %dma_wait3A_207 = arith.constant 0 : i32
      %dma_wait3A_208 = tpu.memref_slice %arg6[%dma_wait3A_204, %dma_wait3A_206, %dma_wait3A_207] : memref<2x256x128xf32, #tpu.memory_space<vmem>> -> memref<1x256x128xf32, #tpu.memory_space<vmem>>
      %dma_wait3A_209 = tpu.memref_squeeze %dma_wait3A_208 : memref<1x256x128xf32, #tpu.memory_space<vmem>> -> memref<256x128xf32, #tpu.memory_space<vmem>>
      %dma_wait3A_210 = tpu.memref_slice %arg5[%mul3A_203] : memref<25600xi32, #tpu.memory_space<vmem>> -> memref<256xi32, #tpu.memory_space<vmem>>
      %dma_wait3A_211 = arith.constant 0 : i32
      %dma_wait3A_212 = arith.constant 0 : i32
      %dma_wait3A_213 = tpu.memref_slice %arg3[%dma_wait3A_211, %dma_wait3A_212] : memref<1000000x128xf32, #tpu.memory_space<hbm>> -> memref<1000000x128xf32, #tpu.memory_space<hbm>>
      %dma_wait3A_214 = tpu.memref_slice %arg7[%dma_wait3A_205] : memref<2x!tpu.dma_semaphore, #tpu.memory_space<semaphore_mem>> -> memref<1x!tpu.dma_semaphore, #tpu.memory_space<semaphore_mem>>
      %dma_wait3A_215 = tpu.memref_squeeze %dma_wait3A_214 : memref<1x!tpu.dma_semaphore, #tpu.memory_space<semaphore_mem>> -> memref<!tpu.dma_semaphore, #tpu.memory_space<semaphore_mem>>
      tpu.wait_indirect_dma semaphore(%dma_wait3A_215 : memref<!tpu.dma_semaphore, #tpu.memory_space<semaphore_mem>>) src(%dma_wait3A_213 : memref<1000000x128xf32, #tpu.memory_space<hbm>>) dst(%dma_wait3A_209 : memref<256x128xf32, #tpu.memory_space<vmem>>)
      %add3A_216 = arith.constant 1 : i32
      %add3A_217 = arith.addi %mul3A_156, %add3A_216 : i32
      %mul3A_218 = arith.constant 256 : i32
      %mul3A_219 = arith.muli %add3A_217, %mul3A_218 : i32
      %add3A_220 = arith.addi %mul3A_2, %mul3A_219 : i32
      %dma_start3A_221 = arith.constant 1 : i32
      %dma_start3A_222 = arith.constant 1 : i32
      %dma_start3A_223 = arith.constant 0 : i32
      %dma_start3A_224 = arith.constant 0 : i32
      %dma_start3A_225 = tpu.memref_slice %arg6[%dma_start3A_221, %dma_start3A_223, %dma_start3A_224] : memref<2x256x128xf32, #tpu.memory_space<vmem>> -> memref<1x256x128xf32, #tpu.memory_space<vmem>>
      %dma_start3A_226 = tpu.memref_squeeze %dma_start3A_225 : memref<1x256x128xf32, #tpu.memory_space<vmem>> -> memref<256x128xf32, #tpu.memory_space<vmem>>
      %dma_start3A_227 = arith.constant 0 : i32
      %dma_start3A_228 = arith.constant 0 : i32
      %dma_start3A_229 = tpu.memref_slice %dma_start3A_226[%dma_start3A_227, %dma_start3A_228] : memref<256x128xf32, #tpu.memory_space<vmem>> -> memref<256x64xf32, #tpu.memory_space<vmem>>
      %dma_start3A_230 = arith.constant 0 : i32
      %dma_start3A_231 = tpu.memref_slice %arg4[%add3A_220, %dma_start3A_230] : memref<819200x64xf32, #tpu.memory_space<hbm>> -> memref<256x64xf32, #tpu.memory_space<hbm>>
      %dma_start3A_232 = tpu.memref_slice %arg8[%dma_start3A_222] : memref<2x!tpu.dma_semaphore, #tpu.memory_space<semaphore_mem>> -> memref<1x!tpu.dma_semaphore, #tpu.memory_space<semaphore_mem>>
      %dma_start3A_233 = tpu.memref_squeeze %dma_start3A_232 : memref<1x!tpu.dma_semaphore, #tpu.memory_space<semaphore_mem>> -> memref<!tpu.dma_semaphore, #tpu.memory_space<semaphore_mem>>
      %dma_start3A_234 = arith.constant 0 : i32
      %dma_start3A_235 = tpu.memref_slice %arg4[%add3A_220, %dma_start3A_234] : memref<819200x64xf32, #tpu.memory_space<hbm>> -> memref<256x64xf32, #tpu.memory_space<hbm>>
      %dma_start3A_236 = arith.constant 0 : i32
      %dma_start3A_237 = arith.constant 0 : i32
      %dma_start3A_238 = tpu.memref_slice %arg6[%dma_start3A_221, %dma_start3A_236, %dma_start3A_237] : memref<2x256x128xf32, #tpu.memory_space<vmem>> -> memref<1x256x128xf32, #tpu.memory_space<vmem>>
      %dma_start3A_239 = tpu.memref_squeeze %dma_start3A_238 : memref<1x256x128xf32, #tpu.memory_space<vmem>> -> memref<256x128xf32, #tpu.memory_space<vmem>>
      %dma_start3A_240 = arith.constant 0 : i32
      %dma_start3A_241 = arith.constant 0 : i32
      %dma_start3A_242 = tpu.memref_slice %dma_start3A_239[%dma_start3A_240, %dma_start3A_241] : memref<256x128xf32, #tpu.memory_space<vmem>> -> memref<256x64xf32, #tpu.memory_space<vmem>>
      tpu.enqueue_dma source(%dma_start3A_242 : memref<256x64xf32, #tpu.memory_space<vmem>>) target(%dma_start3A_235 : memref<256x64xf32, #tpu.memory_space<hbm>>) target_semaphore(%dma_start3A_233 : memref<!tpu.dma_semaphore, #tpu.memory_space<semaphore_mem>>)
      %add3A_243 = arith.constant 0 : i32
      %add3A_244 = arith.addi %mul3A_156, %add3A_243 : i32
      %mul3A_245 = arith.constant 256 : i32
      %mul3A_246 = arith.muli %add3A_244, %mul3A_245 : i32
      %add3A_247 = arith.addi %mul3A_2, %mul3A_246 : i32
      %dma_wait3A_248 = arith.constant 0 : i32
      %dma_wait3A_249 = arith.constant 0 : i32
      %dma_wait3A_250 = arith.constant 0 : i32
      %dma_wait3A_251 = arith.constant 0 : i32
      %dma_wait3A_252 = tpu.memref_slice %arg6[%dma_wait3A_248, %dma_wait3A_250, %dma_wait3A_251] : memref<2x256x128xf32, #tpu.memory_space<vmem>> -> memref<1x256x128xf32, #tpu.memory_space<vmem>>
      %dma_wait3A_253 = tpu.memref_squeeze %dma_wait3A_252 : memref<1x256x128xf32, #tpu.memory_space<vmem>> -> memref<256x128xf32, #tpu.memory_space<vmem>>
      %dma_wait3A_254 = arith.constant 0 : i32
      %dma_wait3A_255 = arith.constant 0 : i32
      %dma_wait3A_256 = tpu.memref_slice %dma_wait3A_253[%dma_wait3A_254, %dma_wait3A_255] : memref<256x128xf32, #tpu.memory_space<vmem>> -> memref<256x64xf32, #tpu.memory_space<vmem>>
      %dma_wait3A_257 = arith.constant 0 : i32
      %dma_wait3A_258 = tpu.memref_slice %arg4[%add3A_247, %dma_wait3A_257] : memref<819200x64xf32, #tpu.memory_space<hbm>> -> memref<256x64xf32, #tpu.memory_space<hbm>>
      %dma_wait3A_259 = tpu.memref_slice %arg8[%dma_wait3A_249] : memref<2x!tpu.dma_semaphore, #tpu.memory_space<semaphore_mem>> -> memref<1x!tpu.dma_semaphore, #tpu.memory_space<semaphore_mem>>
      %dma_wait3A_260 = tpu.memref_squeeze %dma_wait3A_259 : memref<1x!tpu.dma_semaphore, #tpu.memory_space<semaphore_mem>> -> memref<!tpu.dma_semaphore, #tpu.memory_space<semaphore_mem>>
      %dma_wait3A_261 = arith.constant 0 : i32
      %dma_wait3A_262 = tpu.memref_slice %arg4[%add3A_247, %dma_wait3A_261] : memref<819200x64xf32, #tpu.memory_space<hbm>> -> memref<256x64xf32, #tpu.memory_space<hbm>>
      %dma_wait3A_263 = arith.constant 0 : i32
      %dma_wait3A_264 = arith.constant 0 : i32
      %dma_wait3A_265 = tpu.memref_slice %arg6[%dma_wait3A_248, %dma_wait3A_263, %dma_wait3A_264] : memref<2x256x128xf32, #tpu.memory_space<vmem>> -> memref<1x256x128xf32, #tpu.memory_space<vmem>>
      %dma_wait3A_266 = tpu.memref_squeeze %dma_wait3A_265 : memref<1x256x128xf32, #tpu.memory_space<vmem>> -> memref<256x128xf32, #tpu.memory_space<vmem>>
      %dma_wait3A_267 = arith.constant 0 : i32
      %dma_wait3A_268 = arith.constant 0 : i32
      %dma_wait3A_269 = tpu.memref_slice %dma_wait3A_266[%dma_wait3A_267, %dma_wait3A_268] : memref<256x128xf32, #tpu.memory_space<vmem>> -> memref<256x64xf32, #tpu.memory_space<vmem>>
      tpu.wait_dma2 semaphore(%dma_wait3A_260 : memref<!tpu.dma_semaphore, #tpu.memory_space<semaphore_mem>>) src(%dma_wait3A_269 : memref<256x64xf32, #tpu.memory_space<vmem>>) dst(%dma_wait3A_262 : memref<256x64xf32, #tpu.memory_space<hbm>>)
      %add3A_270 = arith.constant 2 : i32
      %add3A_271 = arith.addi %mul3A_156, %add3A_270 : i32
      %add3A_272 = arith.constant 0 : i32
      %add3A_273 = arith.addi %add3A_271, %add3A_272 : i32
      %mul3A_274 = arith.constant 256 : i32
      %mul3A_275 = arith.muli %add3A_273, %mul3A_274 : i32
      %dma_start3A_276 = arith.constant 0 : i32
      %dma_start3A_277 = arith.constant 0 : i32
      %dma_start3A_278 = arith.constant 0 : i32
      %dma_start3A_279 = arith.constant 0 : i32
      %dma_start3A_280 = tpu.memref_slice %arg6[%dma_start3A_276, %dma_start3A_278, %dma_start3A_279] : memref<2x256x128xf32, #tpu.memory_space<vmem>> -> memref<1x256x128xf32, #tpu.memory_space<vmem>>
      %dma_start3A_281 = tpu.memref_squeeze %dma_start3A_280 : memref<1x256x128xf32, #tpu.memory_space<vmem>> -> memref<256x128xf32, #tpu.memory_space<vmem>>
      %dma_start3A_282 = tpu.memref_slice %arg5[%mul3A_275] : memref<25600xi32, #tpu.memory_space<vmem>> -> memref<256xi32, #tpu.memory_space<vmem>>
      %dma_start3A_283 = arith.constant 0 : i32
      %dma_start3A_284 = arith.constant 0 : i32
      %dma_start3A_285 = tpu.memref_slice %arg3[%dma_start3A_283, %dma_start3A_284] : memref<1000000x128xf32, #tpu.memory_space<hbm>> -> memref<1000000x128xf32, #tpu.memory_space<hbm>>
      %dma_start3A_286 = tpu.memref_slice %arg7[%dma_start3A_277] : memref<2x!tpu.dma_semaphore, #tpu.memory_space<semaphore_mem>> -> memref<1x!tpu.dma_semaphore, #tpu.memory_space<semaphore_mem>>
      %dma_start3A_287 = tpu.memref_squeeze %dma_start3A_286 : memref<1x!tpu.dma_semaphore, #tpu.memory_space<semaphore_mem>> -> memref<!tpu.dma_semaphore, #tpu.memory_space<semaphore_mem>>
      tpu.enqueue_indirect_dma source(%dma_start3A_285 : memref<1000000x128xf32, #tpu.memory_space<hbm>>) target(%dma_start3A_281 : memref<256x128xf32, #tpu.memory_space<vmem>>) offsets(%dma_start3A_282 : memref<256xi32, #tpu.memory_space<vmem>>) semaphore(%dma_start3A_287 : memref<!tpu.dma_semaphore, #tpu.memory_space<semaphore_mem>>)
      %add3A_288 = arith.constant 1 : i32
      %add3A_289 = arith.addi %mul3A_156, %add3A_288 : i32
      %mul3A_290 = arith.constant 256 : i32
      %mul3A_291 = arith.muli %add3A_289, %mul3A_290 : i32
      %add3A_292 = arith.addi %mul3A_2, %mul3A_291 : i32
      %dma_wait3A_293 = arith.constant 1 : i32
      %dma_wait3A_294 = arith.constant 1 : i32
      %dma_wait3A_295 = arith.constant 0 : i32
      %dma_wait3A_296 = arith.constant 0 : i32
      %dma_wait3A_297 = tpu.memref_slice %arg6[%dma_wait3A_293, %dma_wait3A_295, %dma_wait3A_296] : memref<2x256x128xf32, #tpu.memory_space<vmem>> -> memref<1x256x128xf32, #tpu.memory_space<vmem>>
      %dma_wait3A_298 = tpu.memref_squeeze %dma_wait3A_297 : memref<1x256x128xf32, #tpu.memory_space<vmem>> -> memref<256x128xf32, #tpu.memory_space<vmem>>
      %dma_wait3A_299 = arith.constant 0 : i32
      %dma_wait3A_300 = arith.constant 0 : i32
      %dma_wait3A_301 = tpu.memref_slice %dma_wait3A_298[%dma_wait3A_299, %dma_wait3A_300] : memref<256x128xf32, #tpu.memory_space<vmem>> -> memref<256x64xf32, #tpu.memory_space<vmem>>
      %dma_wait3A_302 = arith.constant 0 : i32
      %dma_wait3A_303 = tpu.memref_slice %arg4[%add3A_292, %dma_wait3A_302] : memref<819200x64xf32, #tpu.memory_space<hbm>> -> memref<256x64xf32, #tpu.memory_space<hbm>>
      %dma_wait3A_304 = tpu.memref_slice %arg8[%dma_wait3A_294] : memref<2x!tpu.dma_semaphore, #tpu.memory_space<semaphore_mem>> -> memref<1x!tpu.dma_semaphore, #tpu.memory_space<semaphore_mem>>
      %dma_wait3A_305 = tpu.memref_squeeze %dma_wait3A_304 : memref<1x!tpu.dma_semaphore, #tpu.memory_space<semaphore_mem>> -> memref<!tpu.dma_semaphore, #tpu.memory_space<semaphore_mem>>
      %dma_wait3A_306 = arith.constant 0 : i32
      %dma_wait3A_307 = tpu.memref_slice %arg4[%add3A_292, %dma_wait3A_306] : memref<819200x64xf32, #tpu.memory_space<hbm>> -> memref<256x64xf32, #tpu.memory_space<hbm>>
      %dma_wait3A_308 = arith.constant 0 : i32
      %dma_wait3A_309 = arith.constant 0 : i32
      %dma_wait3A_310 = tpu.memref_slice %arg6[%dma_wait3A_293, %dma_wait3A_308, %dma_wait3A_309] : memref<2x256x128xf32, #tpu.memory_space<vmem>> -> memref<1x256x128xf32, #tpu.memory_space<vmem>>
      %dma_wait3A_311 = tpu.memref_squeeze %dma_wait3A_310 : memref<1x256x128xf32, #tpu.memory_space<vmem>> -> memref<256x128xf32, #tpu.memory_space<vmem>>
      %dma_wait3A_312 = arith.constant 0 : i32
      %dma_wait3A_313 = arith.constant 0 : i32
      %dma_wait3A_314 = tpu.memref_slice %dma_wait3A_311[%dma_wait3A_312, %dma_wait3A_313] : memref<256x128xf32, #tpu.memory_space<vmem>> -> memref<256x64xf32, #tpu.memory_space<vmem>>
      tpu.wait_dma2 semaphore(%dma_wait3A_305 : memref<!tpu.dma_semaphore, #tpu.memory_space<semaphore_mem>>) src(%dma_wait3A_314 : memref<256x64xf32, #tpu.memory_space<vmem>>) dst(%dma_wait3A_307 : memref<256x64xf32, #tpu.memory_space<hbm>>)
      %add3A_315 = arith.constant 2 : i32
      %add3A_316 = arith.addi %mul3A_156, %add3A_315 : i32
      %add3A_317 = arith.constant 1 : i32
      %add3A_318 = arith.addi %add3A_316, %add3A_317 : i32
      %mul3A_319 = arith.constant 256 : i32
      %mul3A_320 = arith.muli %add3A_318, %mul3A_319 : i32
      %dma_start3A_321 = arith.constant 1 : i32
      %dma_start3A_322 = arith.constant 1 : i32
      %dma_start3A_323 = arith.constant 0 : i32
      %dma_start3A_324 = arith.constant 0 : i32
      %dma_start3A_325 = tpu.memref_slice %arg6[%dma_start3A_321, %dma_start3A_323, %dma_start3A_324] : memref<2x256x128xf32, #tpu.memory_space<vmem>> -> memref<1x256x128xf32, #tpu.memory_space<vmem>>
      %dma_start3A_326 = tpu.memref_squeeze %dma_start3A_325 : memref<1x256x128xf32, #tpu.memory_space<vmem>> -> memref<256x128xf32, #tpu.memory_space<vmem>>
      %dma_start3A_327 = tpu.memref_slice %arg5[%mul3A_320] : memref<25600xi32, #tpu.memory_space<vmem>> -> memref<256xi32, #tpu.memory_space<vmem>>
      %dma_start3A_328 = arith.constant 0 : i32
      %dma_start3A_329 = arith.constant 0 : i32
      %dma_start3A_330 = tpu.memref_slice %arg3[%dma_start3A_328, %dma_start3A_329] : memref<1000000x128xf32, #tpu.memory_space<hbm>> -> memref<1000000x128xf32, #tpu.memory_space<hbm>>
      %dma_start3A_331 = tpu.memref_slice %arg7[%dma_start3A_322] : memref<2x!tpu.dma_semaphore, #tpu.memory_space<semaphore_mem>> -> memref<1x!tpu.dma_semaphore, #tpu.memory_space<semaphore_mem>>
      %dma_start3A_332 = tpu.memref_squeeze %dma_start3A_331 : memref<1x!tpu.dma_semaphore, #tpu.memory_space<semaphore_mem>> -> memref<!tpu.dma_semaphore, #tpu.memory_space<semaphore_mem>>
      tpu.enqueue_indirect_dma source(%dma_start3A_330 : memref<1000000x128xf32, #tpu.memory_space<hbm>>) target(%dma_start3A_326 : memref<256x128xf32, #tpu.memory_space<vmem>>) offsets(%dma_start3A_327 : memref<256xi32, #tpu.memory_space<vmem>>) semaphore(%dma_start3A_332 : memref<!tpu.dma_semaphore, #tpu.memory_space<semaphore_mem>>)
    }
    %scan3A_32 = arith.constant 49 : i32
    %dma_wait3A = arith.constant 0 : i32
    %dma_wait3A_33 = arith.constant 0 : i32
    %dma_wait3A_34 = arith.constant 0 : i32
    %dma_wait3A_35 = arith.constant 0 : i32
    %dma_wait3A_36 = tpu.memref_slice %arg6[%dma_wait3A, %dma_wait3A_34, %dma_wait3A_35] : memref<2x256x128xf32, #tpu.memory_space<vmem>> -> memref<1x256x128xf32, #tpu.memory_space<vmem>>
    %dma_wait3A_37 = tpu.memref_squeeze %dma_wait3A_36 : memref<1x256x128xf32, #tpu.memory_space<vmem>> -> memref<256x128xf32, #tpu.memory_space<vmem>>
    %dma_wait3A_38 = arith.constant 25088 : i32
    %dma_wait3A_39 = tpu.memref_slice %arg5[%dma_wait3A_38] : memref<25600xi32, #tpu.memory_space<vmem>> -> memref<256xi32, #tpu.memory_space<vmem>>
    %dma_wait3A_40 = arith.constant 0 : i32
    %dma_wait3A_41 = arith.constant 0 : i32
    %dma_wait3A_42 = tpu.memref_slice %arg3[%dma_wait3A_40, %dma_wait3A_41] : memref<1000000x128xf32, #tpu.memory_space<hbm>> -> memref<1000000x128xf32, #tpu.memory_space<hbm>>
    %dma_wait3A_43 = tpu.memref_slice %arg7[%dma_wait3A_33] : memref<2x!tpu.dma_semaphore, #tpu.memory_space<semaphore_mem>> -> memref<1x!tpu.dma_semaphore, #tpu.memory_space<semaphore_mem>>
    %dma_wait3A_44 = tpu.memref_squeeze %dma_wait3A_43 : memref<1x!tpu.dma_semaphore, #tpu.memory_space<semaphore_mem>> -> memref<!tpu.dma_semaphore, #tpu.memory_space<semaphore_mem>>
    tpu.wait_indirect_dma semaphore(%dma_wait3A_44 : memref<!tpu.dma_semaphore, #tpu.memory_space<semaphore_mem>>) src(%dma_wait3A_42 : memref<1000000x128xf32, #tpu.memory_space<hbm>>) dst(%dma_wait3A_37 : memref<256x128xf32, #tpu.memory_space<vmem>>)
    %add3A_45 = arith.constant 25088 : i32
    %add3A_46 = arith.addi %mul3A_2, %add3A_45 : i32
    %dma_start3A_47 = arith.constant 0 : i32
    %dma_start3A_48 = arith.constant 0 : i32
    %dma_start3A_49 = arith.constant 0 : i32
    %dma_start3A_50 = arith.constant 0 : i32
    %dma_start3A_51 = tpu.memref_slice %arg6[%dma_start3A_47, %dma_start3A_49, %dma_start3A_50] : memref<2x256x128xf32, #tpu.memory_space<vmem>> -> memref<1x256x128xf32, #tpu.memory_space<vmem>>
    %dma_start3A_52 = tpu.memref_squeeze %dma_start3A_51 : memref<1x256x128xf32, #tpu.memory_space<vmem>> -> memref<256x128xf32, #tpu.memory_space<vmem>>
    %dma_start3A_53 = arith.constant 0 : i32
    %dma_start3A_54 = arith.constant 0 : i32
    %dma_start3A_55 = tpu.memref_slice %dma_start3A_52[%dma_start3A_53, %dma_start3A_54] : memref<256x128xf32, #tpu.memory_space<vmem>> -> memref<256x64xf32, #tpu.memory_space<vmem>>
    %dma_start3A_56 = arith.constant 0 : i32
    %dma_start3A_57 = tpu.memref_slice %arg4[%add3A_46, %dma_start3A_56] : memref<819200x64xf32, #tpu.memory_space<hbm>> -> memref<256x64xf32, #tpu.memory_space<hbm>>
    %dma_start3A_58 = tpu.memref_slice %arg8[%dma_start3A_48] : memref<2x!tpu.dma_semaphore, #tpu.memory_space<semaphore_mem>> -> memref<1x!tpu.dma_semaphore, #tpu.memory_space<semaphore_mem>>
    %dma_start3A_59 = tpu.memref_squeeze %dma_start3A_58 : memref<1x!tpu.dma_semaphore, #tpu.memory_space<semaphore_mem>> -> memref<!tpu.dma_semaphore, #tpu.memory_space<semaphore_mem>>
    %dma_start3A_60 = arith.constant 0 : i32
    %dma_start3A_61 = tpu.memref_slice %arg4[%add3A_46, %dma_start3A_60] : memref<819200x64xf32, #tpu.memory_space<hbm>> -> memref<256x64xf32, #tpu.memory_space<hbm>>
    %dma_start3A_62 = arith.constant 0 : i32
    %dma_start3A_63 = arith.constant 0 : i32
    %dma_start3A_64 = tpu.memref_slice %arg6[%dma_start3A_47, %dma_start3A_62, %dma_start3A_63] : memref<2x256x128xf32, #tpu.memory_space<vmem>> -> memref<1x256x128xf32, #tpu.memory_space<vmem>>
    %dma_start3A_65 = tpu.memref_squeeze %dma_start3A_64 : memref<1x256x128xf32, #tpu.memory_space<vmem>> -> memref<256x128xf32, #tpu.memory_space<vmem>>
    %dma_start3A_66 = arith.constant 0 : i32
    %dma_start3A_67 = arith.constant 0 : i32
    %dma_start3A_68 = tpu.memref_slice %dma_start3A_65[%dma_start3A_66, %dma_start3A_67] : memref<256x128xf32, #tpu.memory_space<vmem>> -> memref<256x64xf32, #tpu.memory_space<vmem>>
    tpu.enqueue_dma source(%dma_start3A_68 : memref<256x64xf32, #tpu.memory_space<vmem>>) target(%dma_start3A_61 : memref<256x64xf32, #tpu.memory_space<hbm>>) target_semaphore(%dma_start3A_59 : memref<!tpu.dma_semaphore, #tpu.memory_space<semaphore_mem>>)
    %dma_wait3A_69 = arith.constant 1 : i32
    %dma_wait3A_70 = arith.constant 1 : i32
    %dma_wait3A_71 = arith.constant 0 : i32
    %dma_wait3A_72 = arith.constant 0 : i32
    %dma_wait3A_73 = tpu.memref_slice %arg6[%dma_wait3A_69, %dma_wait3A_71, %dma_wait3A_72] : memref<2x256x128xf32, #tpu.memory_space<vmem>> -> memref<1x256x128xf32, #tpu.memory_space<vmem>>
    %dma_wait3A_74 = tpu.memref_squeeze %dma_wait3A_73 : memref<1x256x128xf32, #tpu.memory_space<vmem>> -> memref<256x128xf32, #tpu.memory_space<vmem>>
    %dma_wait3A_75 = arith.constant 25344 : i32
    %dma_wait3A_76 = tpu.memref_slice %arg5[%dma_wait3A_75] : memref<25600xi32, #tpu.memory_space<vmem>> -> memref<256xi32, #tpu.memory_space<vmem>>
    %dma_wait3A_77 = arith.constant 0 : i32
    %dma_wait3A_78 = arith.constant 0 : i32
    %dma_wait3A_79 = tpu.memref_slice %arg3[%dma_wait3A_77, %dma_wait3A_78] : memref<1000000x128xf32, #tpu.memory_space<hbm>> -> memref<1000000x128xf32, #tpu.memory_space<hbm>>
    %dma_wait3A_80 = tpu.memref_slice %arg7[%dma_wait3A_70] : memref<2x!tpu.dma_semaphore, #tpu.memory_space<semaphore_mem>> -> memref<1x!tpu.dma_semaphore, #tpu.memory_space<semaphore_mem>>
    %dma_wait3A_81 = tpu.memref_squeeze %dma_wait3A_80 : memref<1x!tpu.dma_semaphore, #tpu.memory_space<semaphore_mem>> -> memref<!tpu.dma_semaphore, #tpu.memory_space<semaphore_mem>>
    tpu.wait_indirect_dma semaphore(%dma_wait3A_81 : memref<!tpu.dma_semaphore, #tpu.memory_space<semaphore_mem>>) src(%dma_wait3A_79 : memref<1000000x128xf32, #tpu.memory_space<hbm>>) dst(%dma_wait3A_74 : memref<256x128xf32, #tpu.memory_space<vmem>>)
    %add3A_82 = arith.constant 25344 : i32
    %add3A_83 = arith.addi %mul3A_2, %add3A_82 : i32
    %dma_start3A_84 = arith.constant 1 : i32
    %dma_start3A_85 = arith.constant 1 : i32
    %dma_start3A_86 = arith.constant 0 : i32
    %dma_start3A_87 = arith.constant 0 : i32
    %dma_start3A_88 = tpu.memref_slice %arg6[%dma_start3A_84, %dma_start3A_86, %dma_start3A_87] : memref<2x256x128xf32, #tpu.memory_space<vmem>> -> memref<1x256x128xf32, #tpu.memory_space<vmem>>
    %dma_start3A_89 = tpu.memref_squeeze %dma_start3A_88 : memref<1x256x128xf32, #tpu.memory_space<vmem>> -> memref<256x128xf32, #tpu.memory_space<vmem>>
    %dma_start3A_90 = arith.constant 0 : i32
    %dma_start3A_91 = arith.constant 0 : i32
    %dma_start3A_92 = tpu.memref_slice %dma_start3A_89[%dma_start3A_90, %dma_start3A_91] : memref<256x128xf32, #tpu.memory_space<vmem>> -> memref<256x64xf32, #tpu.memory_space<vmem>>
    %dma_start3A_93 = arith.constant 0 : i32
    %dma_start3A_94 = tpu.memref_slice %arg4[%add3A_83, %dma_start3A_93] : memref<819200x64xf32, #tpu.memory_space<hbm>> -> memref<256x64xf32, #tpu.memory_space<hbm>>
    %dma_start3A_95 = tpu.memref_slice %arg8[%dma_start3A_85] : memref<2x!tpu.dma_semaphore, #tpu.memory_space<semaphore_mem>> -> memref<1x!tpu.dma_semaphore, #tpu.memory_space<semaphore_mem>>
    %dma_start3A_96 = tpu.memref_squeeze %dma_start3A_95 : memref<1x!tpu.dma_semaphore, #tpu.memory_space<semaphore_mem>> -> memref<!tpu.dma_semaphore, #tpu.memory_space<semaphore_mem>>
    %dma_start3A_97 = arith.constant 0 : i32
    %dma_start3A_98 = tpu.memref_slice %arg4[%add3A_83, %dma_start3A_97] : memref<819200x64xf32, #tpu.memory_space<hbm>> -> memref<256x64xf32, #tpu.memory_space<hbm>>
    %dma_start3A_99 = arith.constant 0 : i32
    %dma_start3A_100 = arith.constant 0 : i32
    %dma_start3A_101 = tpu.memref_slice %arg6[%dma_start3A_84, %dma_start3A_99, %dma_start3A_100] : memref<2x256x128xf32, #tpu.memory_space<vmem>> -> memref<1x256x128xf32, #tpu.memory_space<vmem>>
    %dma_start3A_102 = tpu.memref_squeeze %dma_start3A_101 : memref<1x256x128xf32, #tpu.memory_space<vmem>> -> memref<256x128xf32, #tpu.memory_space<vmem>>
    %dma_start3A_103 = arith.constant 0 : i32
    %dma_start3A_104 = arith.constant 0 : i32
    %dma_start3A_105 = tpu.memref_slice %dma_start3A_102[%dma_start3A_103, %dma_start3A_104] : memref<256x128xf32, #tpu.memory_space<vmem>> -> memref<256x64xf32, #tpu.memory_space<vmem>>
    tpu.enqueue_dma source(%dma_start3A_105 : memref<256x64xf32, #tpu.memory_space<vmem>>) target(%dma_start3A_98 : memref<256x64xf32, #tpu.memory_space<hbm>>) target_semaphore(%dma_start3A_96 : memref<!tpu.dma_semaphore, #tpu.memory_space<semaphore_mem>>)
    %add3A_106 = arith.constant 25088 : i32
    %add3A_107 = arith.addi %mul3A_2, %add3A_106 : i32
    %dma_wait3A_108 = arith.constant 0 : i32
    %dma_wait3A_109 = arith.constant 0 : i32
    %dma_wait3A_110 = arith.constant 0 : i32
    %dma_wait3A_111 = arith.constant 0 : i32
    %dma_wait3A_112 = tpu.memref_slice %arg6[%dma_wait3A_108, %dma_wait3A_110, %dma_wait3A_111] : memref<2x256x128xf32, #tpu.memory_space<vmem>> -> memref<1x256x128xf32, #tpu.memory_space<vmem>>
    %dma_wait3A_113 = tpu.memref_squeeze %dma_wait3A_112 : memref<1x256x128xf32, #tpu.memory_space<vmem>> -> memref<256x128xf32, #tpu.memory_space<vmem>>
    %dma_wait3A_114 = arith.constant 0 : i32
    %dma_wait3A_115 = arith.constant 0 : i32
    %dma_wait3A_116 = tpu.memref_slice %dma_wait3A_113[%dma_wait3A_114, %dma_wait3A_115] : memref<256x128xf32, #tpu.memory_space<vmem>> -> memref<256x64xf32, #tpu.memory_space<vmem>>
    %dma_wait3A_117 = arith.constant 0 : i32
    %dma_wait3A_118 = tpu.memref_slice %arg4[%add3A_107, %dma_wait3A_117] : memref<819200x64xf32, #tpu.memory_space<hbm>> -> memref<256x64xf32, #tpu.memory_space<hbm>>
    %dma_wait3A_119 = tpu.memref_slice %arg8[%dma_wait3A_109] : memref<2x!tpu.dma_semaphore, #tpu.memory_space<semaphore_mem>> -> memref<1x!tpu.dma_semaphore, #tpu.memory_space<semaphore_mem>>
    %dma_wait3A_120 = tpu.memref_squeeze %dma_wait3A_119 : memref<1x!tpu.dma_semaphore, #tpu.memory_space<semaphore_mem>> -> memref<!tpu.dma_semaphore, #tpu.memory_space<semaphore_mem>>
    %dma_wait3A_121 = arith.constant 0 : i32
    %dma_wait3A_122 = tpu.memref_slice %arg4[%add3A_107, %dma_wait3A_121] : memref<819200x64xf32, #tpu.memory_space<hbm>> -> memref<256x64xf32, #tpu.memory_space<hbm>>
    %dma_wait3A_123 = arith.constant 0 : i32
    %dma_wait3A_124 = arith.constant 0 : i32
    %dma_wait3A_125 = tpu.memref_slice %arg6[%dma_wait3A_108, %dma_wait3A_123, %dma_wait3A_124] : memref<2x256x128xf32, #tpu.memory_space<vmem>> -> memref<1x256x128xf32, #tpu.memory_space<vmem>>
    %dma_wait3A_126 = tpu.memref_squeeze %dma_wait3A_125 : memref<1x256x128xf32, #tpu.memory_space<vmem>> -> memref<256x128xf32, #tpu.memory_space<vmem>>
    %dma_wait3A_127 = arith.constant 0 : i32
    %dma_wait3A_128 = arith.constant 0 : i32
    %dma_wait3A_129 = tpu.memref_slice %dma_wait3A_126[%dma_wait3A_127, %dma_wait3A_128] : memref<256x128xf32, #tpu.memory_space<vmem>> -> memref<256x64xf32, #tpu.memory_space<vmem>>
    tpu.wait_dma2 semaphore(%dma_wait3A_120 : memref<!tpu.dma_semaphore, #tpu.memory_space<semaphore_mem>>) src(%dma_wait3A_129 : memref<256x64xf32, #tpu.memory_space<vmem>>) dst(%dma_wait3A_122 : memref<256x64xf32, #tpu.memory_space<hbm>>)
    %add3A_130 = arith.constant 25344 : i32
    %add3A_131 = arith.addi %mul3A_2, %add3A_130 : i32
    %dma_wait3A_132 = arith.constant 1 : i32
    %dma_wait3A_133 = arith.constant 1 : i32
    %dma_wait3A_134 = arith.constant 0 : i32
    %dma_wait3A_135 = arith.constant 0 : i32
    %dma_wait3A_136 = tpu.memref_slice %arg6[%dma_wait3A_132, %dma_wait3A_134, %dma_wait3A_135] : memref<2x256x128xf32, #tpu.memory_space<vmem>> -> memref<1x256x128xf32, #tpu.memory_space<vmem>>
    %dma_wait3A_137 = tpu.memref_squeeze %dma_wait3A_136 : memref<1x256x128xf32, #tpu.memory_space<vmem>> -> memref<256x128xf32, #tpu.memory_space<vmem>>
    %dma_wait3A_138 = arith.constant 0 : i32
    %dma_wait3A_139 = arith.constant 0 : i32
    %dma_wait3A_140 = tpu.memref_slice %dma_wait3A_137[%dma_wait3A_138, %dma_wait3A_139] : memref<256x128xf32, #tpu.memory_space<vmem>> -> memref<256x64xf32, #tpu.memory_space<vmem>>
    %dma_wait3A_141 = arith.constant 0 : i32
    %dma_wait3A_142 = tpu.memref_slice %arg4[%add3A_131, %dma_wait3A_141] : memref<819200x64xf32, #tpu.memory_space<hbm>> -> memref<256x64xf32, #tpu.memory_space<hbm>>
    %dma_wait3A_143 = tpu.memref_slice %arg8[%dma_wait3A_133] : memref<2x!tpu.dma_semaphore, #tpu.memory_space<semaphore_mem>> -> memref<1x!tpu.dma_semaphore, #tpu.memory_space<semaphore_mem>>
    %dma_wait3A_144 = tpu.memref_squeeze %dma_wait3A_143 : memref<1x!tpu.dma_semaphore, #tpu.memory_space<semaphore_mem>> -> memref<!tpu.dma_semaphore, #tpu.memory_space<semaphore_mem>>
    %dma_wait3A_145 = arith.constant 0 : i32
    %dma_wait3A_146 = tpu.memref_slice %arg4[%add3A_131, %dma_wait3A_145] : memref<819200x64xf32, #tpu.memory_space<hbm>> -> memref<256x64xf32, #tpu.memory_space<hbm>>
    %dma_wait3A_147 = arith.constant 0 : i32
    %dma_wait3A_148 = arith.constant 0 : i32
    %dma_wait3A_149 = tpu.memref_slice %arg6[%dma_wait3A_132, %dma_wait3A_147, %dma_wait3A_148] : memref<2x256x128xf32, #tpu.memory_space<vmem>> -> memref<1x256x128xf32, #tpu.memory_space<vmem>>
    %dma_wait3A_150 = tpu.memref_squeeze %dma_wait3A_149 : memref<1x256x128xf32, #tpu.memory_space<vmem>> -> memref<256x128xf32, #tpu.memory_space<vmem>>
    %dma_wait3A_151 = arith.constant 0 : i32
    %dma_wait3A_152 = arith.constant 0 : i32
    %dma_wait3A_153 = tpu.memref_slice %dma_wait3A_150[%dma_wait3A_151, %dma_wait3A_152] : memref<256x128xf32, #tpu.memory_space<vmem>> -> memref<256x64xf32, #tpu.memory_space<vmem>>
    tpu.wait_dma2 semaphore(%dma_wait3A_144 : memref<!tpu.dma_semaphore, #tpu.memory_space<semaphore_mem>>) src(%dma_wait3A_153 : memref<256x64xf32, #tpu.memory_space<vmem>>) dst(%dma_wait3A_146 : memref<256x64xf32, #tpu.memory_space<hbm>>)
    return
  }
}

</mosaic_0001>

<sc_bundles>
// kernel: kernel.3.cloned.1.call-start
scs
__scs_entry_jumppad:
0x0: {  	(pc) =	sbr.rel $0x88, $3  }
0x1: {  	(tag) =	ssettag $0x0;
	lr =	simm.s32 $0x1  }
0x2: {  	[smem:$0x3F9F] =	sst lr;
	_ =	strace $0xD0000000  }
0x3: {  	_ = 	snop  }
0x4: {  	_ = 	snop  }
0x5: {  	_ = 	snop  }
0x6: {  	_ = 	snop  }
0x7: {  	_ = 	snop  }
__scs_overlays_trampoline_lowered:
0x8: {  	[smem:$0x3FAE] =	sst s0  }
0x9: {  	[smem:$0x3FAF] =	sst s1  }
0xa: {  	[smem:$0x3FB0] =	sst s2  }
0xb: {  	[smem:$0x3FB1] =	sst s3  }
0xc: {  	[smem:$0x3FB2] =	sst s4  }
0xd: {  	[smem:$0x3FB3] =	sst s5  }
0xe: {  	[smem:$0x3FB4] =	sst s6  }
0xf: {  	[smem:$0x3FB5] =	sst s7  }
0x10: {  	[smem:$0x3FB6] =	sst s8  }
0x11: {  	[smem:$0x3FB7] =	sst s9;
	s0 =	simm.s32 @!p0 $0x0  }
0x12: {  	s1 =	sld [smem:$0x3F9D];
	s0 =	simm.s32 @p0 $0x1  }
0x13: {  	[smem:$0x3FB8] =	sst s0;
	s0 =	simm.s32 @!p1 $0x0  }
0x14: {  	s2 =	sld [smem:$0x3F9C];
	s0 =	simm.s32 @p1 $0x1  }
0x15: {  	[smem:$0x3FB9] =	sst s0;
	s0 =	simm.s32 @!p2 $0x0  }
0x16: {  	s3 =	sld [smem:$0x3FDB];
	s0 =	simm.s32 @p2 $0x1  }
0x17: {  	s4 =	simm.s32 $0x1BF5;
	[smem:$0x3FBB] =	sst s0  }
0x18: {  	s0 =	sld [smem:$0x3F9E];
	_ =	swait.ge [sflag:s4], $0x0  }
0x19: {  	s7 =	sld [smem:$0x3F9F]  }
0x1a: {  	s8 =	sadd.s32 $0xFFFFE003, lr  }
0x1b: {  	s9 =	sadd.s32 $0xFFFFFEF7, lr;
	s5 =	simm.s32 $0xFFFFFFFF;
	p2 =	slt.u32 s8, $0xFFFFF086  }
0x1c: {  	p1 =	slt.u32 s9, $0xF7A;
	s5 =	simm.s32 @!p2 $0x0  }
0x1d: {  	s5 =	simm.s32 @p1 $0x1;
	p0 =	seq.s32 s7, s2  }
0x1e: {  	s7 =	smul.u32 @!p0 $0xF7A, s2;
	p2 =	seq.s32 @!p0 s5, $0x0  }
0x1f: {  	s9 =	smul.u32 $0xF7A, s1;
	s8 =	simm.s32 @!p0 $0x1BF5;
	p2 =	por !p2, p0  }
0x20: {  	[sflag:s8] =	ssyncset.s32 @!p0 $0xFFFFF086;
	s6 =	sadd.s32 @!p0 s3, s7;
	s7 =	simm.s32 @!p0 $0x108  }
0x21: {  	s3 =	sadd.s32 s3, s9;
	s6 =	sadd.s32 @!p0 $0x88, s6;
	s7 =	simm.s32 @p2 $0x1082  }
0x22: {  	[simem:s7], [sflag:s8] =	dma.local @!p0 [hbm:s6], $0xF7A  }
0x23: {  	s9 =	sor.u32 $0xD0000000, s2;
	s6 =	simm.s32 $0x108;
	_ =	swait.ge @!p0 [sflag:s8], $0x0  }
0x24: {  	s3 =	sadd.s32 $0x88, s3;
	s6 =	simm.s32 @!p1 $0x1082;
	[sflag:s4] =	ssyncset.s32 $0xFFFFF086  }
0x25: {  	[simem:s6], [sflag:s4] =	dma.local [hbm:s3], $0xF7A  }
0x26: {  	[smem:$0x3F9F] =	sst s1;
	(tag) =	ssettag s2;
	_ =	strace s9  }
0x27: {  	s1 =	sld [smem:$0x3FAF]  }
0x28: {  	s2 =	sld [smem:$0x3FB0]  }
0x29: {  	s4 =	sld [smem:$0x3FB2]  }
0x2a: {  	p0 =	seq.s32 s5, $0x0;
	s5 =	sld [smem:$0x3FB3]  }
0x2b: {  	s6 =	sld [smem:$0x3FB4]  }
0x2c: {  	s7 =	sld [smem:$0x3FB5]  }
0x2d: {  	s3 =	simm.s32 $0x108;
	s8 =	sld [smem:$0x3FB6]  }
0x2e: {  	s3 =	simm.s32 @!p0 $0x1082;
	s9 =	sld [smem:$0x3FB7]  }
0x2f: {  	lr =	sadd.s32 s0, s3;
	s0 =	sld [smem:$0x3FAE]  }
0x30: {  	s3 =	sld [smem:$0x3FB1]  }
0x31: {  	[smem:$0x3FBA] =	sst s10  }
0x32: {  	s10 =	sld [smem:$0x3FB8];
	_ =	sdelay $0x3  }
0x33: {  	p0 =	seq.s32 s10, $0x1;
	s10 =	sld [smem:$0x3FBA];
	_ =	sdelay $0x3  }
0x34: {  	[smem:$0x3FBA] =	sst s10  }
0x35: {  	s10 =	sld [smem:$0x3FB9];
	_ =	sdelay $0x3  }
0x36: {  	p1 =	seq.s32 s10, $0x1;
	s10 =	sld [smem:$0x3FBA];
	_ =	sdelay $0x3  }
0x37: {  	[smem:$0x3FBA] =	sst s10  }
0x38: {  	s10 =	sld [smem:$0x3FBB]  }
0x39: {  	_ = 	snop;
	(pc) =	sbr.ind lr, $3  }
0x3a: {  	_ = 	snop  }
0x3b: {  	_ = 	snop  }
0x3c: {  	p2 =	seq.s32 s10, $0x1;
	s10 =	sld [smem:$0x3FBA]  }
0x3d: {  	_ =	shalt  }
0x3e: {  	_ =	shalt  }
0x3f: {  	_ =	shalt  }
0x40: {  	_ =	shalt  }
0x41: {  	_ =	shalt  }
0x42: {  	_ =	shalt  }
0x43: {  	_ =	shalt  }
0x44: {  	_ =	shalt  }
0x45: {  	_ =	shalt  }
0x46: {  	_ =	shalt  }
0x47: {  	_ =	shalt  }
0x48: {  	_ =	shalt  }
0x49: {  	_ =	shalt  }
0x4a: {  	_ =	shalt  }
0x4b: {  	_ =	shalt  }
0x4c: {  	_ =	shalt  }
0x4d: {  	_ =	shalt  }
0x4e: {  	_ =	shalt  }
0x4f: {  	_ =	shalt  }
0x50: {  	_ =	shalt  }
0x51: {  	_ =	shalt  }
0x52: {  	_ =	shalt  }
0x53: {  	_ =	shalt  }
0x54: {  	_ =	shalt  }
0x55: {  	_ =	shalt  }
0x56: {  	_ =	shalt  }
0x57: {  	_ =	shalt  }
0x58: {  	_ =	shalt  }
0x59: {  	_ =	shalt  }
0x5a: {  	_ =	shalt  }
0x5b: {  	_ =	shalt  }
0x5c: {  	_ =	shalt  }
0x5d: {  	_ =	shalt  }
0x5e: {  	_ =	shalt  }
0x5f: {  	_ =	shalt  }
0x60: {  	_ =	shalt  }
0x61: {  	_ =	shalt  }
0x62: {  	_ =	shalt  }
0x63: {  	_ =	shalt  }
0x64: {  	_ =	shalt  }
0x65: {  	_ =	shalt  }
0x66: {  	_ =	shalt  }
0x67: {  	_ =	shalt  }
0x68: {  	_ =	shalt  }
0x69: {  	_ =	shalt  }
0x6a: {  	_ =	shalt  }
0x6b: {  	_ =	shalt  }
0x6c: {  	_ =	shalt  }
0x6d: {  	_ =	shalt  }
0x6e: {  	_ =	shalt  }
0x6f: {  	_ =	shalt  }
0x70: {  	_ =	shalt  }
0x71: {  	_ =	shalt  }
0x72: {  	_ =	shalt  }
0x73: {  	_ =	shalt  }
0x74: {  	_ =	shalt  }
0x75: {  	_ =	shalt  }
0x76: {  	_ =	shalt  }
0x77: {  	_ =	shalt  }
0x78: {  	_ =	shalt  }
0x79: {  	_ =	shalt  }
0x7a: {  	_ =	shalt  }
0x7b: {  	_ =	shalt  }
0x7c: {  	_ =	shalt  }
0x7d: {  	_ =	shalt  }
0x7e: {  	_ =	shalt  }
0x7f: {  	_ =	shalt  }
0x80: {  	_ =	shalt  }
0x81: {  	_ =	shalt  }
0x82: {  	_ =	shalt  }
0x83: {  	_ =	shalt  }
0x84: {  	_ =	shalt  }
0x85: {  	_ =	shalt  }
0x86: {  	_ =	shalt  }
0x87: {  	_ =	shalt  }
.Lfunc_end0:
.L_simem_size_0:
called_computation.1_lowered:
.L_overlay_start_0:
0x88: {  	s2 =	sld [smem:$0x3FD9]  }
0x89: {  	s3 =	sld [smem:$0x3FFE];
	_ =	sdelay $0x1  }
0x8a: {  	s1 =	srdreg.scid  }
0x8b: {  	s0 =	sand.u32 $0x1, s1  }
0x8c: {  	s17 =	sshll.u32 s0, $0xA;
	s2 =	sadd.s32 s3, s2  }
0x8d: {  	s2 =	sadd.s32 s2, s17  }
0x8e: {  	[smem:$0x3FC6] =	sst s2  }
0x8f: {  	_ = 	snop  }
0x90: {  	s2 =	sld [smem:$0x3FD0];
	(tm) =	ssettm $0x1  }
0x91: {  	s18 =	sld [smem:$0x3FFB];
	_ =	sdelay $0x3  }
0x92: {  	_ =	strace s18  }
0x93: {  	s3 =	sld [smem:$0x3FFC];
	_ =	sdelay $0x3  }
0x94: {  	_ =	strace s3  }
0x95: {  	s3 =	sld [smem:$0x3FFD];
	_ =	sdelay $0x3  }
0x96: {  	_ =	strace s3  }
0x97: {  	_ =	strace $0x8FFFFFFF  }
0x98: {  	s19 =	sld [smem:$0x3FDB];
	_ =	sdelay $0x1  }
0x99: {  	s4 =	simm.s32 $_scs_section_size  }
0x9a: {  	s5 =	simm.s32 $_size__tile_overlayer_lowered;
	s6 =	simm.s32 $_tile_overlayer_lowered  }
0x9b: {  	s22 =	simm.s32 $0x1BFF;
	s21 =	sshll.u32 s6, $0x1;
	s3 =	sadd.s32 s4, s19  }
0x9c: {  	s7 =	simm.s32 $0x0;
	s20 =	sshll.u32 s5, $0x1;
	s5 =	sadd.s32 s21, s3  }
0x9d: {  	[timem:s7], [sflag:s22] =	dma.local [hbm:s5], s20  }
0x9e: {  	_ =	swait.ge [sflag:s22], s20  }
0x9f: {  	s4 =	ssub.s32 $0x0, s20;
	[sflag:s22] =	ssyncset.done $0x0  }
0xa0: {  	[sflag:s22] =	ssyncadd.s32 s4;
	_ =	sdelay $0x1  }
0xa1: {  	s23 =	simm.s32 $0x1B8B  }
0xa2: {  	_ =	swait.ge [sflag:s23], $0x1  }
0xa3: {  	[sflag:s23] =	ssyncset.done $0x0  }
0xa4: {  	s25 =	simm.s32 $0x1B8E;
	s24 =	sld [smem:$0x3FFE];
	[sflag:s23] =	ssyncadd.s32 $0xFFFFFFFF  }
0xa5: {  	s26 =	simm.s32 $execute0_lowered;
	[smem:$0x3FD2] =	sst s25  }
0xa6: {  	s5 =	sshll.u32 s26, $0x1;
	_ =	strace $0x80000046;
	[dreg:$0x1] =	wrdreg $0xFFFFFFFF  }
0xa7: {  	s28 =	simm.s32 $_size_execute0_lowered;
	s3 =	sadd.s32 s3, s5;
	[dreg:$0x0] =	wrdreg $0x0  }
0xa8: {  	s5 =	sshll.u32 s28, $0x1;
	[dreg:$0x2] =	wrdreg s3  }
0xa9: {  	[dreg:$0x3] =	wrdreg s5  }
0xaa: {  	[dreg:$0x4] =	wrdreg $0xC0  }
0xab: {  	_ =	task [dreg:s7], $0x5FFFF  }
0xac: {  	[dreg:$0x1] =	wrdreg $0xFFFFFFFF  }
0xad: {  	[dreg:$0x0] =	wrdreg $0x60  }
0xae: {  	[dreg:$0x2] =	wrdreg s24  }
0xaf: {  	[dreg:$0x3] =	wrdreg s2  }
0xb0: {  	[dreg:$0x4] =	wrdreg $0x9  }
0xb1: {  	_ =	task.clear_ibuf [dreg:s7], $0x5FFFF;
	_ =	strace $0x90000046  }
0xb2: {  	s29 =	simm.s32 $0x9;
	_ =	strace $0x80000048  }
0xb3: {  	_ =	swait.ge [sflag:s29], $0x1  }
0xb4: {  	[sflag:s29] =	ssyncadd.s32 $0xFFFFFFFF  }
0xb5: {  	_ =	strace $0x90000048  }
0xb6: {  	_ =	sfence  }
0xb7: {  	s30 =	sld [smem:$0x0];
	_ =	sdelay $0x2  }
0xb8: {  	s31 =	sshll.u32 s1, $0xD;
	s1 =	sshrl.u32 s1, $0x2  }
0xb9: {  	s3 =	sand.u32 $0x4000, s31;
	s1 =	sadd.s32 s1, s30  }
0xba: {  	s0 =	sor.u32 s3, s0;
	s1 =	sshll.u32 s1, $0x11  }
0xbb: {  	s0 =	sor.u32 s1, s0  }
0xbc: {  	s0 =	sadd.s32 $0x8F2B, s0  }
0xbd: {  	[sflag:s0] =	ssyncadd.remote.s32 $0x1  }
0xbe: {  	_ =	sfence.sel $0xFFFF  }
0xbf: {  	[dreg:$0x0] =	wrdreg $0xFFFFFFFF;
	(pc) =	sbr.abs _section_cstart, $3  }
0xc0: {  	[dreg:$0x1] =	wrdreg $0xFFFFFFFF  }
0xc1: {  	_ =	task.clear_ibuf [dreg:s7], $0x2FFFF;
	_ =	strace $0x9FFFFFFF  }
0xc2: {  	(tm) =	ssettm $0x7FFFFFFF  }
0xc3: {  	_ =	shalt  }
tec
execute0_lowered:
.L_overlay_start_1:
0x0: {  	(tag) =	ssettag $0x1  }
0x1: {  	s1 =	srdreg.scid  }
0x2: {  	s0 =	stileid.u32;
	s5 =	rddreg [dreg:$0x0]  }
0x3: {  	s2 =	rddreg [dreg:$0x1];
	s3 =	simm.s32 $0x0;
	s12 =	simm.s32 $0x100  }
0x4: {  	s13 =	simm.s32 $0x6400;
	s14 =	simm.s32 $0xE400;
	s15 =	simm.s32 $0x1  }
0x5: {  	s16 =	simm.s32 $0x2;
	s6 =	sand.u32 $0x1, s1;
	s31 =	sshll.u32 s0, $0x1  }
0x6: {  	s17 =	simm.s32 $0x3;
	s18 =	simm.s32 $0x4;
	s7 =	sor.u32 s6, s31  }
0x7: {  	s19 =	simm.s32 $0x0;
	s1 =	rddreg [dreg:$0x2];
	s8 =	smul.u32 $0xC80, s7  }
0x8: {  	[smem:$0x7FF] =	sst s3;
	s6 =	ssub.s32 $0x2, s6;
	s4 =	smul.u32 $0x190000, s7  }
0x9: {  	_ =	strace $0x80000047;
	s9 =	sshrl.u32 s6, $0x1;
	s11 =	smul.u32 $0x32000, s7  }
0xa: {  	s9 =	ssub.s32 s6, s9;
	s8 =	sadd.s32 s8, s5;
	s10 =	sshrl.u32 s4, $0x3  }
0xb: {  	s5 =	sadd.s32 $0xF5BE00, s5;
	s11 =	sadd.s32 s11, s2;
	s10 =	sadd.s32 s2, s10  }
0xc: {  	s9 =	smax.u32 s9, $0x1;
	s6 =	sadd.s32 $0xF42E00, s8;
	s7 =	sadd.s32 $0x31000, s10  }
0xd: {  	s8 =	sadd.s32 $0x31800, s10;
	s10 =	sadd.s32 $0x800, s11;
	s11 =	simm.s32 $0x5  }
.LBB2_1:
0xe: {  	[tilespmem:s3], [sflag:$0x5] =	stream.linear.gather [hbm4b:s6+s3], $0x6400, $0x38;
	[tilespmem:$0x16400] =	vst v63  }
0xf: {  	_ =	swait.ge [sflag:s11], $0x6400  }
0x10: {  	[sflag:s11] =	ssyncset.done $0x0  }
0x11: {  	[sflag:s11] =	ssyncadd.s32 $0xFFFF9C00  }
0x12: {  	[tilespmem:s13], [sflag:$0x1] =	stream.indirect.gather [hbm4b:s5+s12], $0x80, s3, s12, $0xb8;
	[tilespmem:$0x16400] =	vst v63  }
0x13: {  	s20 =	simm.s32 $0x0  }
0x14: {  	[tilespmem:s14], [sflag:$0x2] =	stream.indirect.gather [hbm4b:s5+s12], $0x80, s12, s12, $0xb8;
	[tilespmem:$0x16400] =	vst v63  }
.LBB2_2:
0x15: {  	s21 =	sshll.u32 s20, $0xF  }
0x16: {  	s21 =	sadd.s32 s4, s21  }
0x17: {  	_ =	swait.ge [sflag:s15], $0x8000;
	s22 =	simm.s32 $0x6400;
	s21 =	sshrl.u32 s21, $0x3  }
0x18: {  	s23 =	simm.s32 $0x8;
	[sflag:s15] =	ssyncset.done $0x0;
	s21 =	sadd.s32 s2, s21  }
0x19: {  	s24 =	simm.s32 $0x6480;
	[sflag:s15] =	ssyncadd.s32 $0xFFFF8000;
	s25 =	sadd.s32 $0x0, s21  }
.LBB2_3:
0x1a: {  	[hbm4b:s25+s3] =	stream.linear.scatter [tilespmem:s22], [sflag:$0x3], $0x40, $0x38;
	[tilespmem:$0x16400] =	vst v63  }
0x1b: {  	s25 =	smov.u32 s23;
	s22 =	smov.u32 s24;
	p0 =	sne.s32 s23, $0x7F8  }
.Ltmp0:
0x1c: {  	s23 =	sadd.s32 $0x8, s23;
	(pc) =	sbr.rel @p0 .LBB2_3-.Ltmp0, $2  }
0x1d: {  	_ =	sdelay $0x2  }
0x1e: {  	s24 =	sadd.s32 $0x80, s24;
	s25 =	sadd.s32 s25, s21  }
0x1f: {  	[hbm4b:s25+s3] =	stream.linear.scatter [tilespmem:s22], [sflag:$0x3], $0x40, $0x38;
	[tilespmem:$0x16400] =	vst v63  }
0x20: {  	s21 =	sshll.u32 s20, $0xC;
	s22 =	simm.s32 $0xE400;
	_ =	swait.ge [sflag:s16], $0x8000  }
0x21: {  	s23 =	simm.s32 $0x8;
	s21 =	sadd.s32 s10, s21;
	[sflag:s16] =	ssyncset.done $0x0  }
0x22: {  	s24 =	simm.s32 $0xE480;
	s25 =	sadd.s32 $0x0, s21;
	[sflag:s16] =	ssyncadd.s32 $0xFFFF8000  }
.LBB2_5:
0x23: {  	[hbm4b:s25+s3] =	stream.linear.scatter [tilespmem:s22], [sflag:$0x4], $0x40, $0x38;
	[tilespmem:$0x16400] =	vst v63  }
0x24: {  	s25 =	smov.u32 s23;
	s22 =	smov.u32 s24;
	p0 =	sne.s32 s23, $0x7F8  }
.Ltmp1:
0x25: {  	s23 =	sadd.s32 $0x8, s23;
	(pc) =	sbr.rel @p0 .LBB2_5-.Ltmp1, $2  }
0x26: {  	_ =	sdelay $0x2  }
0x27: {  	s24 =	sadd.s32 $0x80, s24;
	s25 =	sadd.s32 s25, s21  }
0x28: {  	[hbm4b:s25+s3] =	stream.linear.scatter [tilespmem:s22], [sflag:$0x4], $0x40, $0x38;
	[tilespmem:$0x16400] =	vst v63  }
0x29: {  	s21 =	sshll.u32 s20, $0x9;
	_ =	swait.ge [sflag:s17], $0x4000  }
0x2a: {  	s20 =	sadd.s32 $0x1, s20;
	s21 =	sand.u32 $0x3FFFFE00, s21;
	[sflag:s17] =	ssyncset.done $0x0  }
0x2b: {  	p0 =	sne.s32 s20, $0x31;
	s31 =	sadd.s32 $0x200, s21;
	[sflag:s17] =	ssyncadd.s32 $0xFFFFC000  }
0x2c: {  	[tilespmem:s13], [sflag:$0x1] =	stream.indirect.gather [hbm4b:s5+s12], $0x80, s31, s12, $0xb8;
	[tilespmem:$0x16400] =	vst v63  }
.Ltmp2:
0x2d: {  	_ = 	snop;
	(pc) =	sbr.rel @p0 .LBB2_2-.Ltmp2, $4  }
0x2e: {  	_ =	swait.ge [sflag:s18], $0x4000  }
0x2f: {  	[sflag:s18] =	ssyncset.done $0x0  }
0x30: {  	s21 =	sadd.s32 $0x300, s21;
	[sflag:s18] =	ssyncadd.s32 $0xFFFFC000  }
0x31: {  	[tilespmem:s14], [sflag:$0x2] =	stream.indirect.gather [hbm4b:s5+s12], $0x80, s21, s12, $0xb8;
	[tilespmem:$0x16400] =	vst v63  }
0x32: {  	_ =	swait.ge [sflag:s15], $0x8000  }
0x33: {  	s20 =	simm.s32 $0x6400;
	s21 =	simm.s32 $0x8;
	[sflag:s15] =	ssyncset.done $0x0  }
0x34: {  	s23 =	sadd.s32 $0x0, s7;
	s22 =	simm.s32 $0x6480;
	[sflag:s15] =	ssyncadd.s32 $0xFFFF8000  }
.LBB2_8:
0x35: {  	[hbm4b:s23+s3] =	stream.linear.scatter [tilespmem:s20], [sflag:$0x3], $0x40, $0x38;
	[tilespmem:$0x16400] =	vst v63  }
0x36: {  	s23 =	smov.u32 s21;
	s20 =	smov.u32 s22;
	p0 =	sne.s32 s21, $0x7F8  }
.Ltmp3:
0x37: {  	s21 =	sadd.s32 $0x8, s21;
	(pc) =	sbr.rel @p0 .LBB2_8-.Ltmp3, $2  }
0x38: {  	_ =	sdelay $0x2  }
0x39: {  	s22 =	sadd.s32 $0x80, s22;
	s23 =	sadd.s32 s23, s7  }
0x3a: {  	[hbm4b:s23+s3] =	stream.linear.scatter [tilespmem:s20], [sflag:$0x3], $0x40, $0x38;
	[tilespmem:$0x16400] =	vst v63  }
0x3b: {  	_ =	swait.ge [sflag:s16], $0x8000  }
0x3c: {  	s20 =	simm.s32 $0xE400;
	s21 =	simm.s32 $0x8;
	[sflag:s16] =	ssyncset.done $0x0  }
0x3d: {  	s23 =	sadd.s32 $0x0, s8;
	s22 =	simm.s32 $0xE480;
	[sflag:s16] =	ssyncadd.s32 $0xFFFF8000  }
.LBB2_10:
0x3e: {  	[hbm4b:s23+s3] =	stream.linear.scatter [tilespmem:s20], [sflag:$0x4], $0x40, $0x38;
	[tilespmem:$0x16400] =	vst v63  }
0x3f: {  	s23 =	smov.u32 s21;
	s20 =	smov.u32 s22;
	p0 =	sne.s32 s21, $0x7F8  }
.Ltmp4:
0x40: {  	s21 =	sadd.s32 $0x8, s21;
	(pc) =	sbr.rel @p0 .LBB2_10-.Ltmp4, $2  }
0x41: {  	_ =	sdelay $0x2  }
0x42: {  	s22 =	sadd.s32 $0x80, s22;
	s23 =	sadd.s32 s23, s8  }
0x43: {  	[hbm4b:s23+s3] =	stream.linear.scatter [tilespmem:s20], [sflag:$0x4], $0x40, $0x38;
	[tilespmem:$0x16400] =	vst v63  }
0x44: {  	s19 =	sadd.s32 $0x1, s19  }
0x45: {  	_ =	swait.ge [sflag:s17], $0x4000;
	p0 =	sne.s32 s19, s9  }
.Ltmp5:
0x46: {  	[sflag:s17] =	ssyncset.done $0x0;
	(pc) =	sbr.rel @p0 .LBB2_1-.Ltmp5, $4  }
0x47: {  	[sflag:s17] =	ssyncadd.s32 $0xFFFFC000  }
0x48: {  	_ =	swait.ge [sflag:s18], $0x4000  }
0x49: {  	[sflag:s18] =	ssyncset.done $0x0  }
0x4a: {  	[sflag:s18] =	ssyncadd.s32 $0xFFFFC000  }
0x4b: {  	_ =	sfence.sel $0x180000  }
0x4c: {  	[bflag:$0x0] =	sbarrier.arrive $0xFFFF  }
0x4d: {  	p0 =	sne.s32 s0, $0x0;
	_ =	strace $0x90000047  }
0x4e: {  	s0 =	sadd.s32 @!p0 $0x100000, s1;
	[bflag:$0x2] =	sbarrier.arrive $0xFFFF  }
0x4f: {  	[sflag:s0] =	ssyncadd.tile.s32 @!p0 $0x1;
	_ =	shalt  }
.Lfunc_end2:
_tile_overlayer_lowered:
.L_overlay_start_2:
0x50: {  	(tag) =	ssettag $0x2  }
0x51: {  	s0 =	rddreg [dreg:$0x0];
	s2 =	stileid.u32  }
0x52: {  	s1 =	rddreg [dreg:$0x1];
	p0 =	sne.s32 s2, $0x0  }
0x53: {  	s3 =	rddreg [dreg:$0x2];
	[bflag:$0x3] =	sbarrier.arrive $0xFFFF;
	s2 =	simm.s32 @!p0 $0x1C05  }
0x54: {  	[timem:s3], [sflag:s2] =	dma.local @!p0 [hbm:s0], s1  }
0x55: {  	s0 =	simm.s32 @!p0 $0x5  }
0x56: {  	_ =	swait.ge @!p0 [sflag:s0], s1  }
0x57: {  	s1 =	ssub.s32 @!p0 $0x0, s1;
	[sflag:s0] =	ssyncset.done @!p0 $0x0  }
0x58: {  	[sflag:s0] =	ssyncadd.s32 @!p0 s1  }
0x59: {  	[bflag:$0x3] =	sbarrier.arrive $0xFFFF  }
0x5a: {  	_ =	shalt  }

// kernel: sparse-core-data-format-call.cloned.1.call-start
scs
called_computation_lowered:
.L_overlay_start_0:
0x0: {  	s2 =	sld [smem:$0x3FD9]  }
0x1: {  	s3 =	sld [smem:$0x3FFE];
	_ =	sdelay $0x1  }
0x2: {  	s1 =	srdreg.scid  }
0x3: {  	s0 =	sand.u32 $0x1, s1  }
0x4: {  	s18 =	sshll.u32 s0, $0xA;
	s2 =	sadd.s32 s3, s2  }
0x5: {  	s2 =	sadd.s32 s2, s18  }
0x6: {  	[smem:$0x3FC6] =	sst s2  }
0x7: {  	_ = 	snop  }
0x8: {  	s2 =	sld [smem:$0x3FD0];
	(tm) =	ssettm $0x1  }
0x9: {  	s19 =	sld [smem:$0x3FFB];
	_ =	sdelay $0x3  }
0xa: {  	_ =	strace s19  }
0xb: {  	s3 =	sld [smem:$0x3FFC];
	_ =	sdelay $0x3  }
0xc: {  	_ =	strace s3  }
0xd: {  	s3 =	sld [smem:$0x3FFD];
	_ =	sdelay $0x3  }
0xe: {  	_ =	strace s3  }
0xf: {  	_ =	strace $0x8FFFFFFF  }
0x10: {  	s20 =	sld [smem:$0x3FDB];
	_ =	sdelay $0x1  }
0x11: {  	s4 =	simm.s32 $_scs_section_size  }
0x12: {  	s5 =	simm.s32 $_size__tile_overlayer_lowered;
	s6 =	simm.s32 $_tile_overlayer_lowered  }
0x13: {  	s23 =	simm.s32 $0x1BFF;
	s22 =	sshll.u32 s6, $0x1;
	s3 =	sadd.s32 s4, s20  }
0x14: {  	s7 =	simm.s32 $0x0;
	s21 =	sshll.u32 s5, $0x1;
	s5 =	sadd.s32 s22, s3  }
0x15: {  	[timem:s7], [sflag:s23] =	dma.local [hbm:s5], s21  }
0x16: {  	_ =	swait.ge [sflag:s23], s21  }
0x17: {  	s4 =	ssub.s32 $0x0, s21;
	[sflag:s23] =	ssyncset.done $0x0  }
0x18: {  	[sflag:s23] =	ssyncadd.s32 s4;
	_ =	sdelay $0x1  }
0x19: {  	s24 =	simm.s32 $0x1B8B  }
0x1a: {  	_ =	swait.ge [sflag:s24], $0x1  }
0x1b: {  	[sflag:s24] =	ssyncset.done $0x0  }
0x1c: {  	s26 =	simm.s32 $0x1B8E;
	s25 =	sld [smem:$0x3FFE];
	[sflag:s24] =	ssyncadd.s32 $0xFFFFFFFF  }
0x1d: {  	s27 =	simm.s32 $execute0_lowered;
	[smem:$0x3FD2] =	sst s26  }
0x1e: {  	s5 =	sshll.u32 s27, $0x1;
	_ =	strace $0x80000049;
	[dreg:$0x1] =	wrdreg $0xFFFFFFFF  }
0x1f: {  	s28 =	simm.s32 $_size_execute0_lowered;
	s3 =	sadd.s32 s3, s5;
	[dreg:$0x0] =	wrdreg $0x0  }
0x20: {  	s5 =	sshll.u32 s28, $0x1;
	[dreg:$0x2] =	wrdreg s3  }
0x21: {  	[dreg:$0x3] =	wrdreg s5  }
0x22: {  	[dreg:$0x4] =	wrdreg $0xC0  }
0x23: {  	_ =	task [dreg:s7], $0x5FFFF  }
0x24: {  	[dreg:$0x1] =	wrdreg $0xFFFFFFFF  }
0x25: {  	[dreg:$0x0] =	wrdreg $0x60  }
0x26: {  	[dreg:$0x2] =	wrdreg s25  }
0x27: {  	[dreg:$0x3] =	wrdreg s2  }
0x28: {  	[dreg:$0x4] =	wrdreg $0x9  }
0x29: {  	_ =	task.clear_ibuf [dreg:s7], $0x5FFFF;
	_ =	strace $0x90000049  }
0x2a: {  	s29 =	simm.s32 $0x9;
	_ =	strace $0x8000004B  }
0x2b: {  	_ =	swait.ge [sflag:s29], $0x1  }
0x2c: {  	[sflag:s29] =	ssyncadd.s32 $0xFFFFFFFF  }
0x2d: {  	_ =	strace $0x9000004B  }
0x2e: {  	_ =	sfence  }
0x2f: {  	s30 =	sld [smem:$0x0];
	_ =	sdelay $0x2  }
0x30: {  	s31 =	sshll.u32 s1, $0xD;
	s1 =	sshrl.u32 s1, $0x2  }
0x31: {  	s3 =	sand.u32 $0x4000, s31;
	s1 =	sadd.s32 s1, s30  }
0x32: {  	s0 =	sor.u32 s3, s0;
	s1 =	sshll.u32 s1, $0x11  }
0x33: {  	s0 =	sor.u32 s1, s0  }
0x34: {  	s0 =	sadd.s32 $0x8F2B, s0  }
0x35: {  	[sflag:s0] =	ssyncadd.remote.s32 $0x1  }
0x36: {  	_ =	sfence.sel $0xFFFF  }
0x37: {  	[dreg:$0x0] =	wrdreg $0xFFFFFFFF;
	(pc) =	sbr.abs _section_cstart, $3  }
0x38: {  	[dreg:$0x1] =	wrdreg $0xFFFFFFFF  }
0x39: {  	_ =	task.clear_ibuf [dreg:s7], $0x2FFFF;
	_ =	strace $0x9FFFFFFF  }
0x3a: {  	(tm) =	ssettm $0x7FFFFFFF  }
0x3b: {  	_ =	shalt  }
tec
execute0_lowered:
.L_overlay_start_1:
0x0: {  	(tag) =	ssettag $0x1  }
0x1: {  	s0 =	srdreg.scid  }
0x2: {  	s1 =	sshll.u32 s0, $0x4  }
0x3: {  	s5 =	rddreg [dreg:$0x0];
	s0 =	stileid.u32;
	s1 =	sand.u32 $0x10, s1  }
0x4: {  	s3 =	rddreg [dreg:$0x1];
	s31 =	simm.s32 $0x2;
	s4 =	sor.u32 s0, s1  }
0x5: {  	s13 =	simm.s32 $0x0;
	s9 =	simm.s32 $0x400;
	s2 =	sshll.u32 s4, $0x7  }
0x6: {  	s10 =	simm.s32 $0x8000;
	s14 =	simm.s32 $0x0;
	s6 =	ssub.s32 $0x1000, s2  }
0x7: {  	s1 =	rddreg [dreg:$0x2];
	_ =	strace $0x8000004A;
	s7 =	sand.u32 $0xF80, s6  }
0x8: {  	s4 =	sshll.u32 s4, $0xB;
	p0 =	sne.s32 s7, $0x0;
	s7 =	simm.s32 $0x1  }
.Ltmp0:
0x9: {  	s6 =	sshrl.u32 s6, $0xC;
	s7 =	simm.s32 @!p0 $0x0;
	(pc) =	sbr.rel .LBB1_1-.Ltmp0, $4  }
0xa: {  	s8 =	sadd.s32 s4, s5;
	s4 =	simm.s32 $0x1;
	s30 =	sadd.s32 s7, s6  }
0xb: {  	s11 =	simm.s32 $0x0;
	[sflag:s4] =	ssyncpa.u1 $0x0;
	s5 =	smul.u32 $0x64, s30  }
0xc: {  	s12 =	simm.s32 $0x0;
	[sflag:s31] =	ssyncpa.u1 $0x0;
	p0 =	por $0x0, $0x0  }
0xd: {  	s6 =	sadd.s32 $0xA00, s8;
	s7 =	sadd.s32 $0x10A00, s8;
	s8 =	sor.u32 $0x1, s5  }
.LBB1_7:
0xe: {  	s15 =	sadd.s32 $0x2, s11  }
0xf: {  	p2 =	sgt.s32 s15, $0xC7  }
0x10: {  	s15 =	simm.s32 @p2 $0x0;
	p2 =	sne.s32 s12, s8  }
.Ltmp1:
0x11: {  	p1 =	slt.u32 s12, $0x2;
	(pc) =	sbr.rel @!p2 .LBB1_8-.Ltmp1, $4  }
0x12: {  	s13 =	simm.s32 @!p1 $0x2  }
0x13: {  	s16 =	sadd.s32 $0x1, s12;
	s14 =	smov.u32 s11;
	_ =	swait.ge @!p1 [sflag:s13], $0x4000  }
0x14: {  	p0 =	por !p0, !p0;
	s12 =	smov.u32 s16;
	[sflag:s13] =	ssyncset.done @!p1 $0x0  }
0x15: {  	s11 =	smov.u32 s15;
	[sflag:s13] =	ssyncadd.s32 @!p1 $0xFFFFC000;
	s13 =	smov.u32 s2  }
.LBB1_1:
0x16: {  	p1 =	sge.u32 s12, s5  }
0x17: {  	s15 =	sxor.u32 @!p1 $0xFFFFFFFF, s12  }
0x18: {  	s16 =	sshll.u32 @!p1 s11, $0x10;
	s18 =	simm.s32 @!p1 $0x40;
	s15 =	sshll.u32 @!p1 s15, $0xE  }
0x19: {  	s19 =	simm.s32 @!p1 $0x80;
	s17 =	sadd.s32 @!p1 s16, s6;
	s15 =	sand.u32 @!p1 $0x4000, s15  }
0x1a: {  	[tilespmem:s15], [sflag:$0x1] =	stream.strided.gather @!p1 [hbm4b:s17+s18], $0x2000, s19, s18, $0x38;
	[tilespmem:$0x10100] =	vst v63  }
0x1b: {  	s31 =	sadd.s32 $0xFFFFFFFF, s12;
	s16 =	sadd.s32 @!p1 s16, s7;
	s15 =	sor.u32 @!p1 $0x2000, s15  }
0x1c: {  	[tilespmem:s15], [sflag:$0x1] =	stream.strided.gather @!p1 [hbm4b:s16+s18], $0x2000, s19, s18, $0x38;
	[tilespmem:$0x10100] =	vst v63  }
0x1d: {  	p1 =	sge.u32 s31, s5  }
.Ltmp2:
0x1e: {  	_ = 	snop;
	(pc) =	sbr.rel @p1 .LBB1_7-.Ltmp2, $1  }
0x1f: {  	_ =	sdelay $0x3  }
0x20: {  	s15 =	simm.s32 $0x1;
	s17 =	sand.u32 $0x1, s12  }
0x21: {  	_ =	swait.ge [sflag:s4], $0x4000;
	s15 =	simm.s32 @!p0 $0x0;
	s17 =	smul.u32 $0x10200, s17  }
0x22: {  	p2 =	por $0x1, $0x1;
	[sflag:s4] =	ssyncset.done $0x0;
	s16 =	smul.u32 $0x10200, s15  }
0x23: {  	s18 =	sshll.u32 s15, $0x10;
	[sflag:s4] =	ssyncadd.s32 $0xFFFFC000;
	s30 =	sshrl.u32 s17, $0x2  }
0x24: {  	s31 =	sshrl.u32 s18, $0x2;
	s18 =	simm.s32 $0x0;
	s16 =	sshrl.u32 s16, $0x2  }
0x25: {  	s15 =	sor.u32 $0x8000, s30;
	s17 =	sadd.s32 $0x20, s31;
	s16 =	sor.u32 $0x8000, s16  }
.LBB1_3:
0x26: {  	s19 =	sshll.u32 s18, $0xD  }
0x27: {  	s19 =	sand.u32 $0x3FFFE000, s19  }
0x28: {  	s21 =	sadd.s32 s19, s17  }
0x29: {  	s31 =	smul.u32 $0x8100, s18;
	v3 =	vld [tilespmem:s21+$0x10]  }
0x2a: {  	v1 =	vld [tilespmem:s21+$0xFFFFFFF0]  }
0x2b: {  	s18 =	sshra.s32 s31, $0x2;
	v0 =	vld [tilespmem:s21+$0x0]  }
0x2c: {  	s18 =	sadd.s32 s18, s16;
	v2 =	vld [tilespmem:s21+$0xFFFFFFE0]  }
0x2d: {  	s19 =	sadd.s32 $0x0, s18  }
0x2e: {  	p1 =	por p2, p2;
	s20 =	simm.s32 $0x4;
	s21 =	sadd.s32 $0x40, s21;
	[tilespmem:s19+$0x1830 ss:$0x81] =	vst.msk $0xffff, v3  }
.LBB1_4:
0x2f: {  	v3 =	vld [tilespmem:s21+$0x10];
	p2 =	sne.s32 s20, $0x1FC;
	[tilespmem:s19+$0x810 ss:$0x81] =	vst.msk $0xffff, v1;
	s22 =	smov.u32 s20;
	s20 =	sadd.s32 $0x4, s20  }
.Ltmp3:
0x30: {  	v1 =	vld [tilespmem:s21+$0xFFFFFFF0];
	[tilespmem:s19+$0x1020 ss:$0x81] =	vst.msk $0xffff, v0;
	(pc) =	sbr.rel @p2 .LBB1_4-.Ltmp3, $4  }
0x31: {  	v0 =	vld [tilespmem:s21+$0x0];
	[tilespmem:s19+$0x0 ss:$0x81] =	vst.msk $0xffff, v2  }
0x32: {  	s19 =	sshra.s32 s22, $0x2;
	v2 =	vld [tilespmem:s21+$0xFFFFFFE0]  }
0x33: {  	s19 =	sadd.s32 s19, s18  }
0x34: {  	s21 =	sadd.s32 $0x40, s21;
	[tilespmem:s19+$0x1830 ss:$0x81] =	vst.msk $0xffff, v3  }
.Ltmp4:
0x35: {  	(pc) =	sbr.rel @p1 .LBB1_3-.Ltmp4, $4  }
0x36: {  	_ = 	snop  }
0x37: {  	[tilespmem:s19+$0x810 ss:$0x81] =	vst.msk $0xffff, v1  }
0x38: {  	[tilespmem:s19+$0x1020 ss:$0x81] =	vst.msk $0xffff, v0  }
0x39: {  	s18 =	simm.s32 $0x1;
	p2 =	por $0x0, $0x0;
	[tilespmem:s19+$0x0 ss:$0x81] =	vst.msk $0xffff, v2  }
.Ltmp5:
0x3a: {  	(pc) =	sbr.rel .LBB1_7-.Ltmp5, $4  }
0x3b: {  	s14 =	sshll.u32 s14, $0xF  }
0x3c: {  	s14 =	sadd.s32 s3, s14  }
0x3d: {  	s13 =	sadd.s32 s13, s14  }
0x3e: {  	[hbm4b:s13+s9] =	stream.strided.scatter [tilespmem:s15], [sflag:$0x2], $0x4000, s10, s9, $0x20;
	[tilespmem:$0x10100] =	vst v63  }
.LBB1_8:
0x3f: {  	_ =	sfence.sel $0x180000  }
0x40: {  	s2 =	simm.s32 $0x1;
	[bflag:$0x0] =	sbarrier.arrive $0xFFFF  }
0x41: {  	s31 =	simm.s32 $0x2;
	[sflag:s2] =	ssyncpa.u1 $0x1  }
0x42: {  	[sflag:s31] =	ssyncpa.u1 $0x1  }
0x43: {  	p0 =	sne.s32 s0, $0x0;
	_ =	strace $0x9000004A  }
0x44: {  	s0 =	sadd.s32 @!p0 $0x100000, s1;
	[bflag:$0x2] =	sbarrier.arrive $0xFFFF  }
0x45: {  	[sflag:s0] =	ssyncadd.tile.s32 @!p0 $0x1;
	_ =	shalt  }
.Lfunc_end1:
_tile_overlayer_lowered:
.L_overlay_start_2:
0x46: {  	(tag) =	ssettag $0x2  }
0x47: {  	s0 =	rddreg [dreg:$0x0];
	s2 =	stileid.u32  }
0x48: {  	s1 =	rddreg [dreg:$0x1];
	p0 =	sne.s32 s2, $0x0  }
0x49: {  	s3 =	rddreg [dreg:$0x2];
	[bflag:$0x3] =	sbarrier.arrive $0xFFFF;
	s2 =	simm.s32 @!p0 $0x1C01  }
0x4a: {  	[timem:s3], [sflag:s2] =	dma.local @!p0 [hbm:s0], s1  }
0x4b: {  	s0 =	simm.s32 @!p0 $0x1  }
0x4c: {  	_ =	swait.ge @!p0 [sflag:s0], s1  }
0x4d: {  	s1 =	ssub.s32 @!p0 $0x0, s1;
	[sflag:s0] =	ssyncset.done @!p0 $0x0  }
0x4e: {  	[sflag:s0] =	ssyncadd.s32 @!p0 s1  }
0x4f: {  	[bflag:$0x3] =	sbarrier.arrive $0xFFFF  }
0x50: {  	_ =	shalt  }

</sc_bundles>
